<compile_context>
chip_gen: v7x
topology: tpu7x:2x2x1
jax: 0.10.2.dev20260603
libtpu: 0.0.44.dev20260713+nightly
codegen_flags: <defaults>
</compile_context>

<pallas_src>
import functools

import jax
import jax.numpy as jnp
from jax.experimental import pallas as pl
from jax.experimental.pallas import tpu as pltpu
from jax.experimental.pallas import tpu_sc as plsc

_N = 64
_V = 100000
_T = 512


def _sc_gather(emiss_flat, seq):
    info = plsc.get_sparse_core_info()
    nc, ns, lanes = info.num_cores, info.num_subcores, info.num_lanes
    nw = nc * ns
    tpw = _T // nw
    assert tpw == lanes and (tpw * _N) % 128 == 0
    rpw = tpw * _N // 128
    mesh = plsc.VectorSubcoreMesh(core_axis_name="c", subcore_axis_name="s")

    @functools.partial(
        pl.kernel,
        mesh=mesh,
        out_type=jax.ShapeDtypeStruct((_T * _N // 128, 128), jnp.float32),
        scratch_types=[
            pltpu.VMEM((tpw,), jnp.int32),
            pltpu.VMEM((tpw * _N,), jnp.int32),
            pltpu.VMEM((rpw, 128), jnp.float32),
            pltpu.SemaphoreType.DMA,
        ],
    )
    def gather_k(emiss_hbm, seq_hbm, out_hbm, seq_v, idx_v, gath_v, sem):
        wid = jax.lax.axis_index("s") * nc + jax.lax.axis_index("c")
        pltpu.sync_copy(seq_hbm.at[pl.ds(wid * tpw, tpw)], seq_v)
        tag = jax.lax.iota(jnp.int32, lanes) * _V
        sv = seq_v[...]
        for tl in range(tpw):
            word = sv[tl]
            for c in range(_N // lanes):
                idx_v[pl.ds(tl * _N + c * lanes, lanes)] = (
                    tag + (c * lanes * _V + word))
        copies = [
            pltpu.async_copy(
                emiss_hbm.at[idx_v.at[pl.ds(j * 128, 128)]], gath_v.at[j], sem)
            for j in range(rpw)
        ]
        for c in copies:
            c.wait()
        pltpu.sync_copy(gath_v, out_hbm.at[pl.ds(wid * rpw, rpw)])

    return gather_k(emiss_flat, seq)


def _viterbi_body(e_ref, tr_ref, out_ref, er_ref, ro_ref):
    trans = tr_ref[...]
    tr_t = trans.T
    t0c_rep = jnp.broadcast_to(tr_t[:, 0:1], (_N, _N))

    def step_rc(raw_row, mm, ec_rep):
        cand = jnp.broadcast_to(raw_row, (_N, _N)) * tr_t
        m_rep = jnp.broadcast_to(
            jnp.max(cand, axis=1, keepdims=True), (_N, _N))
        sel = jnp.where(mm == 0.0, t0c_rep, m_rep)
        raw_rep = sel * ec_rep
        mm_n = jnp.max(raw_rep[:, 0:1], axis=0, keepdims=True)
        return raw_rep, mm_n

    def step_cr(raw_rep, mm, e_row):
        cand = raw_rep * trans
        m_row = jnp.max(cand, axis=0, keepdims=True)
        sel = jnp.where(mm == 0.0, trans[0:1, :], m_row)
        raw_row = sel * e_row
        mm_n = jnp.max(raw_row, axis=1, keepdims=True)
        return raw_row, mm_n

    def block16(first, st, mm, e_blk):
        et_blk = e_blk.T
        rows, cols = [], []
        for j in range(16):
            if j % 2 == 0:
                if first and j == 0:
                    pass
                else:
                    st, mm = step_cr(st, mm, e_blk[j:j + 1, :])
                rows.append(st)
            else:
                ec = jnp.broadcast_to(et_blk[:, j:j + 1], (_N, _N))
                st, mm = step_rc(st, mm, ec)
                cols.append(st[:, 0:1])
        even = jnp.concatenate(rows, axis=0)
        odd = jnp.concatenate(cols, axis=1).T
        return st, mm, even, odd

    e_blk0 = e_ref[0:16, :]
    st = e_blk0[0:1, :] * trans[0:1, :]
    mm = jnp.ones((1, 1), jnp.float32)
    st, mm, even, odd = block16(True, st, mm, e_blk0)
    er_ref[0:8, :] = even
    ro_ref[0:8, :] = odd

    def body(kk, carry):
        st, mm = carry
        e_blk = e_ref[pl.ds(kk * 16, 16), :]
        st, mm, even, odd = block16(False, st, mm, e_blk)
        er_ref[pl.ds(kk * 8, 8), :] = even
        ro_ref[pl.ds(kk * 8, 8), :] = odd
        return st, mm

    jax.lax.fori_loop(1, _T // 16, body, (st, mm))

    def amax_rows(p):
        m = jnp.max(p, axis=1, keepdims=True)
        il = jax.lax.broadcasted_iota(jnp.int32, (_T // 2, _N), 1)
        return jnp.min(jnp.where(p == m, il, _N), axis=1, keepdims=True)

    ae = amax_rows(er_ref[...])
    ao = amax_rows(ro_ref[...])
    out_ref[...] = jnp.concatenate([ae, ao], axis=1)


_tc_viterbi = pl.pallas_call(
    _viterbi_body,
    out_shape=jax.ShapeDtypeStruct((_T // 2, 2), jnp.int32),
    scratch_shapes=[pltpu.VMEM((_T // 2, _N), jnp.float32),
                    pltpu.VMEM((_T // 2, _N), jnp.float32)],
)


def kernel(seq, emiss, trans):
    e256 = _sc_gather(emiss.reshape(-1), seq)
    e_rows = e256.reshape(_T, _N)
    return _tc_viterbi(e_rows, trans).reshape(_T)

# --- scband reference (transcript-rebuilt; emitter-appended) ---
"""Pipeline reference for scband-hmm-ner-23287312679365 (READ-ONLY COPY).

The authoritative reference and input builder live on the scoring server;
editing this copy changes nothing except your own understanding.
"""

import jax, jax.numpy as jnp
import numpy as np

N_TAGS = 64
VOCAB = 100000
SEQ_LEN = 512
O_IDX = 0  # tag_map.stoi['O']


def setup_inputs(seed: int = 0) -> dict:
    key = jax.random.key(seed)
    k1, k2, k3 = jax.random.split(key, 3)
    seq = jax.random.randint(k1, (SEQ_LEN,), 0, VOCAB, dtype=jnp.int32)
    emiss = jax.random.uniform(k2, (N_TAGS, VOCAB), dtype=jnp.float32)
    trans = jax.random.uniform(k3, (N_TAGS, N_TAGS), dtype=jnp.float32)
    return {"seq": seq, "emiss": emiss, "trans": trans}


def _viterbi_probs(seq, emiss, trans):
    # prob_0[i] = emiss[i, seq[0]] * trans[begin_tag=0, i]
    first_word = seq[0]
    prob_0 = jnp.take(emiss, first_word, axis=1) * trans[0, :]

    def step(prev_prob, word):
        # curr[i] = max_j prev_prob[j] * trans[j, i] * emiss[i, word]
        e = jnp.take(emiss, word, axis=1)  # [n_tags]
        cand = prev_prob[:, None] * trans * e[None, :]  # [j, i]
        curr = jnp.max(cand, axis=0)
        # fallback: if all-zero, force tag 'O' prob to 1.0
        fallback = jnp.zeros_like(curr).at[O_IDX].set(1.0)
        curr = jnp.where(jnp.max(curr) == 0.0, fallback, curr)
        return curr, curr

    _, rest = jax.lax.scan(step, prob_0, seq[1:])
    probs = jnp.concatenate([prob_0[None, :], rest], axis=0)  # [T, n_tags]
    return probs


def reference(seq, emiss, trans):
    probs = _viterbi_probs(seq, emiss, trans)
    hidden_state_seq = jnp.argmax(probs, axis=1).astype(jnp.int32)
    return hidden_state_seq

if __name__ == "__main__":
    import jax
    _d = setup_inputs()
    print(jax.jit(kernel)(*tuple(_d.values())))

</pallas_src>

<mosaic_0001>
#map = affine_map<(d0, d1) -> (0)>
#map1 = affine_map<(d0, d1) -> (0, 0)>
module attributes {stable_mosaic.version = 14 : i64} {
  func.func @gather_k(%arg0: i32, %arg1: i32, %arg2: memref<6400000xf32, #tpu.memory_space<hbm>>, %arg3: memref<512xi32, #tpu.memory_space<hbm>>, %arg4: memref<256x128xf32, #tpu.memory_space<hbm>>, %arg5: memref<16xi32, #tpu.memory_space<vmem>>, %arg6: memref<1024xi32, #tpu.memory_space<vmem>>, %arg7: memref<8x128xf32, #tpu.memory_space<vmem>>, %arg8: memref<!tpu.dma_semaphore, #tpu.memory_space<semaphore_mem>>) attributes {dimension_semantics = [#tpu.dimension_semantics<core_parallel>, #tpu.dimension_semantics<subcore_parallel>], iteration_bounds = array<i64: 2, 16>, scalar_prefetch = 0 : i64, scratch_operands = 4 : i64, tpu.core_type = #tpu.core_type<sc_vector_subcore>, window_params = [{transform_indices = #map}, {transform_indices = #map}, {transform_indices = #map1}]} {
    %mul3A = arith.constant 2 : i32
    %mul3A_0 = arith.muli %arg1, %mul3A : i32
    %add3A = arith.addi %mul3A_0, %arg0 : i32
    %mul3A_1 = arith.constant 16 : i32
    %mul3A_2 = arith.muli %add3A, %mul3A_1 : i32
    "tpu.region"() ({
      %run_scoped3A = tpu.sem_alloc : memref<!tpu.dma_semaphore, #tpu.memory_space<semaphore_mem>>
      %dma_start3A_677 = tpu.memref_slice %arg3[%mul3A_2] : memref<512xi32, #tpu.memory_space<hbm>> -> memref<16xi32, #tpu.memory_space<hbm>>
      %dma_start3A_678 = tpu.memref_slice %arg3[%mul3A_2] : memref<512xi32, #tpu.memory_space<hbm>> -> memref<16xi32, #tpu.memory_space<hbm>>
      tpu.enqueue_dma source(%dma_start3A_678 : memref<16xi32, #tpu.memory_space<hbm>>) target(%arg5 : memref<16xi32, #tpu.memory_space<vmem>>) target_semaphore(%run_scoped3A : memref<!tpu.dma_semaphore, #tpu.memory_space<semaphore_mem>>)
      %dma_wait3A_679 = tpu.memref_slice %arg3[%mul3A_2] : memref<512xi32, #tpu.memory_space<hbm>> -> memref<16xi32, #tpu.memory_space<hbm>>
      %dma_wait3A_680 = tpu.memref_slice %arg3[%mul3A_2] : memref<512xi32, #tpu.memory_space<hbm>> -> memref<16xi32, #tpu.memory_space<hbm>>
      tpu.wait_dma2 semaphore(%run_scoped3A : memref<!tpu.dma_semaphore, #tpu.memory_space<semaphore_mem>>) src(%dma_wait3A_680 : memref<16xi32, #tpu.memory_space<hbm>>) dst(%arg5 : memref<16xi32, #tpu.memory_space<vmem>>)
      tpu.yield
    }) : () -> ()
    %iota3A = tpu.iota {dimensions = array<i32: 0>} : vector<16xi32>
    %mul3A_3 = arith.constant 100000 : i32
    %mul3A_4 = vector.broadcast %mul3A_3 : i32 to vector<16xi32>
    %mul3A_5 = arith.muli %iota3A, %mul3A_4 : vector<16xi32>
    %get3A = arith.constant 0 : index
    %get3A_6 = tpu.vector_load %arg5[%get3A] {strides = array<i32>} : memref<16xi32, #tpu.memory_space<vmem>>, vector<16xi32>,
    %get3A_7 = vector.shape_cast %get3A_6 : vector<16xi32> to vector<16xi32>
    %slice3A = vector.extract_strided_slice %get3A_7 {offsets = [0], sizes = [1], strides = [1]} : vector<16xi32> to vector<1xi32>
    %squeeze3A = vector.extract %slice3A[0] : i32 from vector<1xi32>
    %add3A_8 = arith.constant 0 : i32
    %add3A_9 = arith.addi %add3A_8, %squeeze3A : i32
    %add3A_10 = vector.broadcast %add3A_9 : i32 to vector<16xi32>
    %add3A_11 = arith.addi %mul3A_5, %add3A_10 : vector<16xi32>
    %swap3A = arith.constant 0 : index
    %swap3A_12 = tpu.vector_load %arg6[%swap3A] {strides = array<i32>} : memref<1024xi32, #tpu.memory_space<vmem>>, vector<16xi32>,
    %swap3A_13 = vector.shape_cast %swap3A_12 : vector<16xi32> to vector<16xi32>
    %swap3A_14 = vector.shape_cast %add3A_11 : vector<16xi32> to vector<16xi32>
    tpu.vector_store %arg6[%swap3A], %swap3A_14 {strides = array<i32>} : memref<1024xi32, #tpu.memory_space<vmem>>, vector<16xi32>,
    %add3A_15 = arith.constant 1600000 : i32
    %add3A_16 = arith.addi %add3A_15, %squeeze3A : i32
    %add3A_17 = vector.broadcast %add3A_16 : i32 to vector<16xi32>
    %add3A_18 = arith.addi %mul3A_5, %add3A_17 : vector<16xi32>
    %swap3A_19 = arith.constant 16 : index
    %swap3A_20 = tpu.vector_load %arg6[%swap3A_19] {strides = array<i32>} : memref<1024xi32, #tpu.memory_space<vmem>>, vector<16xi32>,
    %swap3A_21 = vector.shape_cast %swap3A_20 : vector<16xi32> to vector<16xi32>
    %swap3A_22 = vector.shape_cast %add3A_18 : vector<16xi32> to vector<16xi32>
    tpu.vector_store %arg6[%swap3A_19], %swap3A_22 {strides = array<i32>} : memref<1024xi32, #tpu.memory_space<vmem>>, vector<16xi32>,
    %add3A_23 = arith.constant 3200000 : i32
    %add3A_24 = arith.addi %add3A_23, %squeeze3A : i32
    %add3A_25 = vector.broadcast %add3A_24 : i32 to vector<16xi32>
    %add3A_26 = arith.addi %mul3A_5, %add3A_25 : vector<16xi32>
    %swap3A_27 = arith.constant 32 : index
    %swap3A_28 = tpu.vector_load %arg6[%swap3A_27] {strides = array<i32>} : memref<1024xi32, #tpu.memory_space<vmem>>, vector<16xi32>,
    %swap3A_29 = vector.shape_cast %swap3A_28 : vector<16xi32> to vector<16xi32>
    %swap3A_30 = vector.shape_cast %add3A_26 : vector<16xi32> to vector<16xi32>
    tpu.vector_store %arg6[%swap3A_27], %swap3A_30 {strides = array<i32>} : memref<1024xi32, #tpu.memory_space<vmem>>, vector<16xi32>,
    %add3A_31 = arith.constant 4800000 : i32
    %add3A_32 = arith.addi %add3A_31, %squeeze3A : i32
    %add3A_33 = vector.broadcast %add3A_32 : i32 to vector<16xi32>
    %add3A_34 = arith.addi %mul3A_5, %add3A_33 : vector<16xi32>
    %swap3A_35 = arith.constant 48 : index
    %swap3A_36 = tpu.vector_load %arg6[%swap3A_35] {strides = array<i32>} : memref<1024xi32, #tpu.memory_space<vmem>>, vector<16xi32>,
    %swap3A_37 = vector.shape_cast %swap3A_36 : vector<16xi32> to vector<16xi32>
    %swap3A_38 = vector.shape_cast %add3A_34 : vector<16xi32> to vector<16xi32>
    tpu.vector_store %arg6[%swap3A_35], %swap3A_38 {strides = array<i32>} : memref<1024xi32, #tpu.memory_space<vmem>>, vector<16xi32>,
    %slice3A_39 = vector.extract_strided_slice %get3A_7 {offsets = [1], sizes = [1], strides = [1]} : vector<16xi32> to vector<1xi32>
    %squeeze3A_40 = vector.extract %slice3A_39[0] : i32 from vector<1xi32>
    %add3A_41 = arith.constant 0 : i32
    %add3A_42 = arith.addi %add3A_41, %squeeze3A_40 : i32
    %add3A_43 = vector.broadcast %add3A_42 : i32 to vector<16xi32>
    %add3A_44 = arith.addi %mul3A_5, %add3A_43 : vector<16xi32>
    %swap3A_45 = arith.constant 64 : index
    %swap3A_46 = tpu.vector_load %arg6[%swap3A_45] {strides = array<i32>} : memref<1024xi32, #tpu.memory_space<vmem>>, vector<16xi32>,
    %swap3A_47 = vector.shape_cast %swap3A_46 : vector<16xi32> to vector<16xi32>
    %swap3A_48 = vector.shape_cast %add3A_44 : vector<16xi32> to vector<16xi32>
    tpu.vector_store %arg6[%swap3A_45], %swap3A_48 {strides = array<i32>} : memref<1024xi32, #tpu.memory_space<vmem>>, vector<16xi32>,
    %add3A_49 = arith.constant 1600000 : i32
    %add3A_50 = arith.addi %add3A_49, %squeeze3A_40 : i32
    %add3A_51 = vector.broadcast %add3A_50 : i32 to vector<16xi32>
    %add3A_52 = arith.addi %mul3A_5, %add3A_51 : vector<16xi32>
    %swap3A_53 = arith.constant 80 : index
    %swap3A_54 = tpu.vector_load %arg6[%swap3A_53] {strides = array<i32>} : memref<1024xi32, #tpu.memory_space<vmem>>, vector<16xi32>,
    %swap3A_55 = vector.shape_cast %swap3A_54 : vector<16xi32> to vector<16xi32>
    %swap3A_56 = vector.shape_cast %add3A_52 : vector<16xi32> to vector<16xi32>
    tpu.vector_store %arg6[%swap3A_53], %swap3A_56 {strides = array<i32>} : memref<1024xi32, #tpu.memory_space<vmem>>, vector<16xi32>,
    %add3A_57 = arith.constant 3200000 : i32
    %add3A_58 = arith.addi %add3A_57, %squeeze3A_40 : i32
    %add3A_59 = vector.broadcast %add3A_58 : i32 to vector<16xi32>
    %add3A_60 = arith.addi %mul3A_5, %add3A_59 : vector<16xi32>
    %swap3A_61 = arith.constant 96 : index
    %swap3A_62 = tpu.vector_load %arg6[%swap3A_61] {strides = array<i32>} : memref<1024xi32, #tpu.memory_space<vmem>>, vector<16xi32>,
    %swap3A_63 = vector.shape_cast %swap3A_62 : vector<16xi32> to vector<16xi32>
    %swap3A_64 = vector.shape_cast %add3A_60 : vector<16xi32> to vector<16xi32>
    tpu.vector_store %arg6[%swap3A_61], %swap3A_64 {strides = array<i32>} : memref<1024xi32, #tpu.memory_space<vmem>>, vector<16xi32>,
    %add3A_65 = arith.constant 4800000 : i32
    %add3A_66 = arith.addi %add3A_65, %squeeze3A_40 : i32
    %add3A_67 = vector.broadcast %add3A_66 : i32 to vector<16xi32>
    %add3A_68 = arith.addi %mul3A_5, %add3A_67 : vector<16xi32>
    %swap3A_69 = arith.constant 112 : index
    %swap3A_70 = tpu.vector_load %arg6[%swap3A_69] {strides = array<i32>} : memref<1024xi32, #tpu.memory_space<vmem>>, vector<16xi32>,
    %swap3A_71 = vector.shape_cast %swap3A_70 : vector<16xi32> to vector<16xi32>
    %swap3A_72 = vector.shape_cast %add3A_68 : vector<16xi32> to vector<16xi32>
    tpu.vector_store %arg6[%swap3A_69], %swap3A_72 {strides = array<i32>} : memref<1024xi32, #tpu.memory_space<vmem>>, vector<16xi32>,
    %slice3A_73 = vector.extract_strided_slice %get3A_7 {offsets = [2], sizes = [1], strides = [1]} : vector<16xi32> to vector<1xi32>
    %squeeze3A_74 = vector.extract %slice3A_73[0] : i32 from vector<1xi32>
    %add3A_75 = arith.constant 0 : i32
    %add3A_76 = arith.addi %add3A_75, %squeeze3A_74 : i32
    %add3A_77 = vector.broadcast %add3A_76 : i32 to vector<16xi32>
    %add3A_78 = arith.addi %mul3A_5, %add3A_77 : vector<16xi32>
    %swap3A_79 = arith.constant 128 : index
    %swap3A_80 = tpu.vector_load %arg6[%swap3A_79] {strides = array<i32>} : memref<1024xi32, #tpu.memory_space<vmem>>, vector<16xi32>,
    %swap3A_81 = vector.shape_cast %swap3A_80 : vector<16xi32> to vector<16xi32>
    %swap3A_82 = vector.shape_cast %add3A_78 : vector<16xi32> to vector<16xi32>
    tpu.vector_store %arg6[%swap3A_79], %swap3A_82 {strides = array<i32>} : memref<1024xi32, #tpu.memory_space<vmem>>, vector<16xi32>,
    %add3A_83 = arith.constant 1600000 : i32
    %add3A_84 = arith.addi %add3A_83, %squeeze3A_74 : i32
    %add3A_85 = vector.broadcast %add3A_84 : i32 to vector<16xi32>
    %add3A_86 = arith.addi %mul3A_5, %add3A_85 : vector<16xi32>
    %swap3A_87 = arith.constant 144 : index
    %swap3A_88 = tpu.vector_load %arg6[%swap3A_87] {strides = array<i32>} : memref<1024xi32, #tpu.memory_space<vmem>>, vector<16xi32>,
    %swap3A_89 = vector.shape_cast %swap3A_88 : vector<16xi32> to vector<16xi32>
    %swap3A_90 = vector.shape_cast %add3A_86 : vector<16xi32> to vector<16xi32>
    tpu.vector_store %arg6[%swap3A_87], %swap3A_90 {strides = array<i32>} : memref<1024xi32, #tpu.memory_space<vmem>>, vector<16xi32>,
    %add3A_91 = arith.constant 3200000 : i32
    %add3A_92 = arith.addi %add3A_91, %squeeze3A_74 : i32
    %add3A_93 = vector.broadcast %add3A_92 : i32 to vector<16xi32>
    %add3A_94 = arith.addi %mul3A_5, %add3A_93 : vector<16xi32>
    %swap3A_95 = arith.constant 160 : index
    %swap3A_96 = tpu.vector_load %arg6[%swap3A_95] {strides = array<i32>} : memref<1024xi32, #tpu.memory_space<vmem>>, vector<16xi32>,
    %swap3A_97 = vector.shape_cast %swap3A_96 : vector<16xi32> to vector<16xi32>
    %swap3A_98 = vector.shape_cast %add3A_94 : vector<16xi32> to vector<16xi32>
    tpu.vector_store %arg6[%swap3A_95], %swap3A_98 {strides = array<i32>} : memref<1024xi32, #tpu.memory_space<vmem>>, vector<16xi32>,
    %add3A_99 = arith.constant 4800000 : i32
    %add3A_100 = arith.addi %add3A_99, %squeeze3A_74 : i32
    %add3A_101 = vector.broadcast %add3A_100 : i32 to vector<16xi32>
    %add3A_102 = arith.addi %mul3A_5, %add3A_101 : vector<16xi32>
    %swap3A_103 = arith.constant 176 : index
    %swap3A_104 = tpu.vector_load %arg6[%swap3A_103] {strides = array<i32>} : memref<1024xi32, #tpu.memory_space<vmem>>, vector<16xi32>,
    %swap3A_105 = vector.shape_cast %swap3A_104 : vector<16xi32> to vector<16xi32>
    %swap3A_106 = vector.shape_cast %add3A_102 : vector<16xi32> to vector<16xi32>
    tpu.vector_store %arg6[%swap3A_103], %swap3A_106 {strides = array<i32>} : memref<1024xi32, #tpu.memory_space<vmem>>, vector<16xi32>,
    %slice3A_107 = vector.extract_strided_slice %get3A_7 {offsets = [3], sizes = [1], strides = [1]} : vector<16xi32> to vector<1xi32>
    %squeeze3A_108 = vector.extract %slice3A_107[0] : i32 from vector<1xi32>
    %add3A_109 = arith.constant 0 : i32
    %add3A_110 = arith.addi %add3A_109, %squeeze3A_108 : i32
    %add3A_111 = vector.broadcast %add3A_110 : i32 to vector<16xi32>
    %add3A_112 = arith.addi %mul3A_5, %add3A_111 : vector<16xi32>
    %swap3A_113 = arith.constant 192 : index
    %swap3A_114 = tpu.vector_load %arg6[%swap3A_113] {strides = array<i32>} : memref<1024xi32, #tpu.memory_space<vmem>>, vector<16xi32>,
    %swap3A_115 = vector.shape_cast %swap3A_114 : vector<16xi32> to vector<16xi32>
    %swap3A_116 = vector.shape_cast %add3A_112 : vector<16xi32> to vector<16xi32>
    tpu.vector_store %arg6[%swap3A_113], %swap3A_116 {strides = array<i32>} : memref<1024xi32, #tpu.memory_space<vmem>>, vector<16xi32>,
    %add3A_117 = arith.constant 1600000 : i32
    %add3A_118 = arith.addi %add3A_117, %squeeze3A_108 : i32
    %add3A_119 = vector.broadcast %add3A_118 : i32 to vector<16xi32>
    %add3A_120 = arith.addi %mul3A_5, %add3A_119 : vector<16xi32>
    %swap3A_121 = arith.constant 208 : index
    %swap3A_122 = tpu.vector_load %arg6[%swap3A_121] {strides = array<i32>} : memref<1024xi32, #tpu.memory_space<vmem>>, vector<16xi32>,
    %swap3A_123 = vector.shape_cast %swap3A_122 : vector<16xi32> to vector<16xi32>
    %swap3A_124 = vector.shape_cast %add3A_120 : vector<16xi32> to vector<16xi32>
    tpu.vector_store %arg6[%swap3A_121], %swap3A_124 {strides = array<i32>} : memref<1024xi32, #tpu.memory_space<vmem>>, vector<16xi32>,
    %add3A_125 = arith.constant 3200000 : i32
    %add3A_126 = arith.addi %add3A_125, %squeeze3A_108 : i32
    %add3A_127 = vector.broadcast %add3A_126 : i32 to vector<16xi32>
    %add3A_128 = arith.addi %mul3A_5, %add3A_127 : vector<16xi32>
    %swap3A_129 = arith.constant 224 : index
    %swap3A_130 = tpu.vector_load %arg6[%swap3A_129] {strides = array<i32>} : memref<1024xi32, #tpu.memory_space<vmem>>, vector<16xi32>,
    %swap3A_131 = vector.shape_cast %swap3A_130 : vector<16xi32> to vector<16xi32>
    %swap3A_132 = vector.shape_cast %add3A_128 : vector<16xi32> to vector<16xi32>
    tpu.vector_store %arg6[%swap3A_129], %swap3A_132 {strides = array<i32>} : memref<1024xi32, #tpu.memory_space<vmem>>, vector<16xi32>,
    %add3A_133 = arith.constant 4800000 : i32
    %add3A_134 = arith.addi %add3A_133, %squeeze3A_108 : i32
    %add3A_135 = vector.broadcast %add3A_134 : i32 to vector<16xi32>
    %add3A_136 = arith.addi %mul3A_5, %add3A_135 : vector<16xi32>
    %swap3A_137 = arith.constant 240 : index
    %swap3A_138 = tpu.vector_load %arg6[%swap3A_137] {strides = array<i32>} : memref<1024xi32, #tpu.memory_space<vmem>>, vector<16xi32>,
    %swap3A_139 = vector.shape_cast %swap3A_138 : vector<16xi32> to vector<16xi32>
    %swap3A_140 = vector.shape_cast %add3A_136 : vector<16xi32> to vector<16xi32>
    tpu.vector_store %arg6[%swap3A_137], %swap3A_140 {strides = array<i32>} : memref<1024xi32, #tpu.memory_space<vmem>>, vector<16xi32>,
    %slice3A_141 = vector.extract_strided_slice %get3A_7 {offsets = [4], sizes = [1], strides = [1]} : vector<16xi32> to vector<1xi32>
    %squeeze3A_142 = vector.extract %slice3A_141[0] : i32 from vector<1xi32>
    %add3A_143 = arith.constant 0 : i32
    %add3A_144 = arith.addi %add3A_143, %squeeze3A_142 : i32
    %add3A_145 = vector.broadcast %add3A_144 : i32 to vector<16xi32>
    %add3A_146 = arith.addi %mul3A_5, %add3A_145 : vector<16xi32>
    %swap3A_147 = arith.constant 256 : index
    %swap3A_148 = tpu.vector_load %arg6[%swap3A_147] {strides = array<i32>} : memref<1024xi32, #tpu.memory_space<vmem>>, vector<16xi32>,
    %swap3A_149 = vector.shape_cast %swap3A_148 : vector<16xi32> to vector<16xi32>
    %swap3A_150 = vector.shape_cast %add3A_146 : vector<16xi32> to vector<16xi32>
    tpu.vector_store %arg6[%swap3A_147], %swap3A_150 {strides = array<i32>} : memref<1024xi32, #tpu.memory_space<vmem>>, vector<16xi32>,
    %add3A_151 = arith.constant 1600000 : i32
    %add3A_152 = arith.addi %add3A_151, %squeeze3A_142 : i32
    %add3A_153 = vector.broadcast %add3A_152 : i32 to vector<16xi32>
    %add3A_154 = arith.addi %mul3A_5, %add3A_153 : vector<16xi32>
    %swap3A_155 = arith.constant 272 : index
    %swap3A_156 = tpu.vector_load %arg6[%swap3A_155] {strides = array<i32>} : memref<1024xi32, #tpu.memory_space<vmem>>, vector<16xi32>,
    %swap3A_157 = vector.shape_cast %swap3A_156 : vector<16xi32> to vector<16xi32>
    %swap3A_158 = vector.shape_cast %add3A_154 : vector<16xi32> to vector<16xi32>
    tpu.vector_store %arg6[%swap3A_155], %swap3A_158 {strides = array<i32>} : memref<1024xi32, #tpu.memory_space<vmem>>, vector<16xi32>,
    %add3A_159 = arith.constant 3200000 : i32
    %add3A_160 = arith.addi %add3A_159, %squeeze3A_142 : i32
    %add3A_161 = vector.broadcast %add3A_160 : i32 to vector<16xi32>
    %add3A_162 = arith.addi %mul3A_5, %add3A_161 : vector<16xi32>
    %swap3A_163 = arith.constant 288 : index
    %swap3A_164 = tpu.vector_load %arg6[%swap3A_163] {strides = array<i32>} : memref<1024xi32, #tpu.memory_space<vmem>>, vector<16xi32>,
    %swap3A_165 = vector.shape_cast %swap3A_164 : vector<16xi32> to vector<16xi32>
    %swap3A_166 = vector.shape_cast %add3A_162 : vector<16xi32> to vector<16xi32>
    tpu.vector_store %arg6[%swap3A_163], %swap3A_166 {strides = array<i32>} : memref<1024xi32, #tpu.memory_space<vmem>>, vector<16xi32>,
    %add3A_167 = arith.constant 4800000 : i32
    %add3A_168 = arith.addi %add3A_167, %squeeze3A_142 : i32
    %add3A_169 = vector.broadcast %add3A_168 : i32 to vector<16xi32>
    %add3A_170 = arith.addi %mul3A_5, %add3A_169 : vector<16xi32>
    %swap3A_171 = arith.constant 304 : index
    %swap3A_172 = tpu.vector_load %arg6[%swap3A_171] {strides = array<i32>} : memref<1024xi32, #tpu.memory_space<vmem>>, vector<16xi32>,
    %swap3A_173 = vector.shape_cast %swap3A_172 : vector<16xi32> to vector<16xi32>
    %swap3A_174 = vector.shape_cast %add3A_170 : vector<16xi32> to vector<16xi32>
    tpu.vector_store %arg6[%swap3A_171], %swap3A_174 {strides = array<i32>} : memref<1024xi32, #tpu.memory_space<vmem>>, vector<16xi32>,
    %slice3A_175 = vector.extract_strided_slice %get3A_7 {offsets = [5], sizes = [1], strides = [1]} : vector<16xi32> to vector<1xi32>
    %squeeze3A_176 = vector.extract %slice3A_175[0] : i32 from vector<1xi32>
    %add3A_177 = arith.constant 0 : i32
    %add3A_178 = arith.addi %add3A_177, %squeeze3A_176 : i32
    %add3A_179 = vector.broadcast %add3A_178 : i32 to vector<16xi32>
    %add3A_180 = arith.addi %mul3A_5, %add3A_179 : vector<16xi32>
    %swap3A_181 = arith.constant 320 : index
    %swap3A_182 = tpu.vector_load %arg6[%swap3A_181] {strides = array<i32>} : memref<1024xi32, #tpu.memory_space<vmem>>, vector<16xi32>,
    %swap3A_183 = vector.shape_cast %swap3A_182 : vector<16xi32> to vector<16xi32>
    %swap3A_184 = vector.shape_cast %add3A_180 : vector<16xi32> to vector<16xi32>
    tpu.vector_store %arg6[%swap3A_181], %swap3A_184 {strides = array<i32>} : memref<1024xi32, #tpu.memory_space<vmem>>, vector<16xi32>,
    %add3A_185 = arith.constant 1600000 : i32
    %add3A_186 = arith.addi %add3A_185, %squeeze3A_176 : i32
    %add3A_187 = vector.broadcast %add3A_186 : i32 to vector<16xi32>
    %add3A_188 = arith.addi %mul3A_5, %add3A_187 : vector<16xi32>
    %swap3A_189 = arith.constant 336 : index
    %swap3A_190 = tpu.vector_load %arg6[%swap3A_189] {strides = array<i32>} : memref<1024xi32, #tpu.memory_space<vmem>>, vector<16xi32>,
    %swap3A_191 = vector.shape_cast %swap3A_190 : vector<16xi32> to vector<16xi32>
    %swap3A_192 = vector.shape_cast %add3A_188 : vector<16xi32> to vector<16xi32>
    tpu.vector_store %arg6[%swap3A_189], %swap3A_192 {strides = array<i32>} : memref<1024xi32, #tpu.memory_space<vmem>>, vector<16xi32>,
    %add3A_193 = arith.constant 3200000 : i32
    %add3A_194 = arith.addi %add3A_193, %squeeze3A_176 : i32
    %add3A_195 = vector.broadcast %add3A_194 : i32 to vector<16xi32>
    %add3A_196 = arith.addi %mul3A_5, %add3A_195 : vector<16xi32>
    %swap3A_197 = arith.constant 352 : index
    %swap3A_198 = tpu.vector_load %arg6[%swap3A_197] {strides = array<i32>} : memref<1024xi32, #tpu.memory_space<vmem>>, vector<16xi32>,
    %swap3A_199 = vector.shape_cast %swap3A_198 : vector<16xi32> to vector<16xi32>
    %swap3A_200 = vector.shape_cast %add3A_196 : vector<16xi32> to vector<16xi32>
    tpu.vector_store %arg6[%swap3A_197], %swap3A_200 {strides = array<i32>} : memref<1024xi32, #tpu.memory_space<vmem>>, vector<16xi32>,
    %add3A_201 = arith.constant 4800000 : i32
    %add3A_202 = arith.addi %add3A_201, %squeeze3A_176 : i32
    %add3A_203 = vector.broadcast %add3A_202 : i32 to vector<16xi32>
    %add3A_204 = arith.addi %mul3A_5, %add3A_203 : vector<16xi32>
    %swap3A_205 = arith.constant 368 : index
    %swap3A_206 = tpu.vector_load %arg6[%swap3A_205] {strides = array<i32>} : memref<1024xi32, #tpu.memory_space<vmem>>, vector<16xi32>,
    %swap3A_207 = vector.shape_cast %swap3A_206 : vector<16xi32> to vector<16xi32>
    %swap3A_208 = vector.shape_cast %add3A_204 : vector<16xi32> to vector<16xi32>
    tpu.vector_store %arg6[%swap3A_205], %swap3A_208 {strides = array<i32>} : memref<1024xi32, #tpu.memory_space<vmem>>, vector<16xi32>,
    %slice3A_209 = vector.extract_strided_slice %get3A_7 {offsets = [6], sizes = [1], strides = [1]} : vector<16xi32> to vector<1xi32>
    %squeeze3A_210 = vector.extract %slice3A_209[0] : i32 from vector<1xi32>
    %add3A_211 = arith.constant 0 : i32
    %add3A_212 = arith.addi %add3A_211, %squeeze3A_210 : i32
    %add3A_213 = vector.broadcast %add3A_212 : i32 to vector<16xi32>
    %add3A_214 = arith.addi %mul3A_5, %add3A_213 : vector<16xi32>
    %swap3A_215 = arith.constant 384 : index
    %swap3A_216 = tpu.vector_load %arg6[%swap3A_215] {strides = array<i32>} : memref<1024xi32, #tpu.memory_space<vmem>>, vector<16xi32>,
    %swap3A_217 = vector.shape_cast %swap3A_216 : vector<16xi32> to vector<16xi32>
    %swap3A_218 = vector.shape_cast %add3A_214 : vector<16xi32> to vector<16xi32>
    tpu.vector_store %arg6[%swap3A_215], %swap3A_218 {strides = array<i32>} : memref<1024xi32, #tpu.memory_space<vmem>>, vector<16xi32>,
    %add3A_219 = arith.constant 1600000 : i32
    %add3A_220 = arith.addi %add3A_219, %squeeze3A_210 : i32
    %add3A_221 = vector.broadcast %add3A_220 : i32 to vector<16xi32>
    %add3A_222 = arith.addi %mul3A_5, %add3A_221 : vector<16xi32>
    %swap3A_223 = arith.constant 400 : index
    %swap3A_224 = tpu.vector_load %arg6[%swap3A_223] {strides = array<i32>} : memref<1024xi32, #tpu.memory_space<vmem>>, vector<16xi32>,
    %swap3A_225 = vector.shape_cast %swap3A_224 : vector<16xi32> to vector<16xi32>
    %swap3A_226 = vector.shape_cast %add3A_222 : vector<16xi32> to vector<16xi32>
    tpu.vector_store %arg6[%swap3A_223], %swap3A_226 {strides = array<i32>} : memref<1024xi32, #tpu.memory_space<vmem>>, vector<16xi32>,
    %add3A_227 = arith.constant 3200000 : i32
    %add3A_228 = arith.addi %add3A_227, %squeeze3A_210 : i32
    %add3A_229 = vector.broadcast %add3A_228 : i32 to vector<16xi32>
    %add3A_230 = arith.addi %mul3A_5, %add3A_229 : vector<16xi32>
    %swap3A_231 = arith.constant 416 : index
    %swap3A_232 = tpu.vector_load %arg6[%swap3A_231] {strides = array<i32>} : memref<1024xi32, #tpu.memory_space<vmem>>, vector<16xi32>,
    %swap3A_233 = vector.shape_cast %swap3A_232 : vector<16xi32> to vector<16xi32>
    %swap3A_234 = vector.shape_cast %add3A_230 : vector<16xi32> to vector<16xi32>
    tpu.vector_store %arg6[%swap3A_231], %swap3A_234 {strides = array<i32>} : memref<1024xi32, #tpu.memory_space<vmem>>, vector<16xi32>,
    %add3A_235 = arith.constant 4800000 : i32
    %add3A_236 = arith.addi %add3A_235, %squeeze3A_210 : i32
    %add3A_237 = vector.broadcast %add3A_236 : i32 to vector<16xi32>
    %add3A_238 = arith.addi %mul3A_5, %add3A_237 : vector<16xi32>
    %swap3A_239 = arith.constant 432 : index
    %swap3A_240 = tpu.vector_load %arg6[%swap3A_239] {strides = array<i32>} : memref<1024xi32, #tpu.memory_space<vmem>>, vector<16xi32>,
    %swap3A_241 = vector.shape_cast %swap3A_240 : vector<16xi32> to vector<16xi32>
    %swap3A_242 = vector.shape_cast %add3A_238 : vector<16xi32> to vector<16xi32>
    tpu.vector_store %arg6[%swap3A_239], %swap3A_242 {strides = array<i32>} : memref<1024xi32, #tpu.memory_space<vmem>>, vector<16xi32>,
    %slice3A_243 = vector.extract_strided_slice %get3A_7 {offsets = [7], sizes = [1], strides = [1]} : vector<16xi32> to vector<1xi32>
    %squeeze3A_244 = vector.extract %slice3A_243[0] : i32 from vector<1xi32>
    %add3A_245 = arith.constant 0 : i32
    %add3A_246 = arith.addi %add3A_245, %squeeze3A_244 : i32
    %add3A_247 = vector.broadcast %add3A_246 : i32 to vector<16xi32>
    %add3A_248 = arith.addi %mul3A_5, %add3A_247 : vector<16xi32>
    %swap3A_249 = arith.constant 448 : index
    %swap3A_250 = tpu.vector_load %arg6[%swap3A_249] {strides = array<i32>} : memref<1024xi32, #tpu.memory_space<vmem>>, vector<16xi32>,
    %swap3A_251 = vector.shape_cast %swap3A_250 : vector<16xi32> to vector<16xi32>
    %swap3A_252 = vector.shape_cast %add3A_248 : vector<16xi32> to vector<16xi32>
    tpu.vector_store %arg6[%swap3A_249], %swap3A_252 {strides = array<i32>} : memref<1024xi32, #tpu.memory_space<vmem>>, vector<16xi32>,
    %add3A_253 = arith.constant 1600000 : i32
    %add3A_254 = arith.addi %add3A_253, %squeeze3A_244 : i32
    %add3A_255 = vector.broadcast %add3A_254 : i32 to vector<16xi32>
    %add3A_256 = arith.addi %mul3A_5, %add3A_255 : vector<16xi32>
    %swap3A_257 = arith.constant 464 : index
    %swap3A_258 = tpu.vector_load %arg6[%swap3A_257] {strides = array<i32>} : memref<1024xi32, #tpu.memory_space<vmem>>, vector<16xi32>,
    %swap3A_259 = vector.shape_cast %swap3A_258 : vector<16xi32> to vector<16xi32>
    %swap3A_260 = vector.shape_cast %add3A_256 : vector<16xi32> to vector<16xi32>
    tpu.vector_store %arg6[%swap3A_257], %swap3A_260 {strides = array<i32>} : memref<1024xi32, #tpu.memory_space<vmem>>, vector<16xi32>,
    %add3A_261 = arith.constant 3200000 : i32
    %add3A_262 = arith.addi %add3A_261, %squeeze3A_244 : i32
    %add3A_263 = vector.broadcast %add3A_262 : i32 to vector<16xi32>
    %add3A_264 = arith.addi %mul3A_5, %add3A_263 : vector<16xi32>
    %swap3A_265 = arith.constant 480 : index
    %swap3A_266 = tpu.vector_load %arg6[%swap3A_265] {strides = array<i32>} : memref<1024xi32, #tpu.memory_space<vmem>>, vector<16xi32>,
    %swap3A_267 = vector.shape_cast %swap3A_266 : vector<16xi32> to vector<16xi32>
    %swap3A_268 = vector.shape_cast %add3A_264 : vector<16xi32> to vector<16xi32>
    tpu.vector_store %arg6[%swap3A_265], %swap3A_268 {strides = array<i32>} : memref<1024xi32, #tpu.memory_space<vmem>>, vector<16xi32>,
    %add3A_269 = arith.constant 4800000 : i32
    %add3A_270 = arith.addi %add3A_269, %squeeze3A_244 : i32
    %add3A_271 = vector.broadcast %add3A_270 : i32 to vector<16xi32>
    %add3A_272 = arith.addi %mul3A_5, %add3A_271 : vector<16xi32>
    %swap3A_273 = arith.constant 496 : index
    %swap3A_274 = tpu.vector_load %arg6[%swap3A_273] {strides = array<i32>} : memref<1024xi32, #tpu.memory_space<vmem>>, vector<16xi32>,
    %swap3A_275 = vector.shape_cast %swap3A_274 : vector<16xi32> to vector<16xi32>
    %swap3A_276 = vector.shape_cast %add3A_272 : vector<16xi32> to vector<16xi32>
    tpu.vector_store %arg6[%swap3A_273], %swap3A_276 {strides = array<i32>} : memref<1024xi32, #tpu.memory_space<vmem>>, vector<16xi32>,
    %slice3A_277 = vector.extract_strided_slice %get3A_7 {offsets = [8], sizes = [1], strides = [1]} : vector<16xi32> to vector<1xi32>
    %squeeze3A_278 = vector.extract %slice3A_277[0] : i32 from vector<1xi32>
    %add3A_279 = arith.constant 0 : i32
    %add3A_280 = arith.addi %add3A_279, %squeeze3A_278 : i32
    %add3A_281 = vector.broadcast %add3A_280 : i32 to vector<16xi32>
    %add3A_282 = arith.addi %mul3A_5, %add3A_281 : vector<16xi32>
    %swap3A_283 = arith.constant 512 : index
    %swap3A_284 = tpu.vector_load %arg6[%swap3A_283] {strides = array<i32>} : memref<1024xi32, #tpu.memory_space<vmem>>, vector<16xi32>,
    %swap3A_285 = vector.shape_cast %swap3A_284 : vector<16xi32> to vector<16xi32>
    %swap3A_286 = vector.shape_cast %add3A_282 : vector<16xi32> to vector<16xi32>
    tpu.vector_store %arg6[%swap3A_283], %swap3A_286 {strides = array<i32>} : memref<1024xi32, #tpu.memory_space<vmem>>, vector<16xi32>,
    %add3A_287 = arith.constant 1600000 : i32
    %add3A_288 = arith.addi %add3A_287, %squeeze3A_278 : i32
    %add3A_289 = vector.broadcast %add3A_288 : i32 to vector<16xi32>
    %add3A_290 = arith.addi %mul3A_5, %add3A_289 : vector<16xi32>
    %swap3A_291 = arith.constant 528 : index
    %swap3A_292 = tpu.vector_load %arg6[%swap3A_291] {strides = array<i32>} : memref<1024xi32, #tpu.memory_space<vmem>>, vector<16xi32>,
    %swap3A_293 = vector.shape_cast %swap3A_292 : vector<16xi32> to vector<16xi32>
    %swap3A_294 = vector.shape_cast %add3A_290 : vector<16xi32> to vector<16xi32>
    tpu.vector_store %arg6[%swap3A_291], %swap3A_294 {strides = array<i32>} : memref<1024xi32, #tpu.memory_space<vmem>>, vector<16xi32>,
    %add3A_295 = arith.constant 3200000 : i32
    %add3A_296 = arith.addi %add3A_295, %squeeze3A_278 : i32
    %add3A_297 = vector.broadcast %add3A_296 : i32 to vector<16xi32>
    %add3A_298 = arith.addi %mul3A_5, %add3A_297 : vector<16xi32>
    %swap3A_299 = arith.constant 544 : index
    %swap3A_300 = tpu.vector_load %arg6[%swap3A_299] {strides = array<i32>} : memref<1024xi32, #tpu.memory_space<vmem>>, vector<16xi32>,
    %swap3A_301 = vector.shape_cast %swap3A_300 : vector<16xi32> to vector<16xi32>
    %swap3A_302 = vector.shape_cast %add3A_298 : vector<16xi32> to vector<16xi32>
    tpu.vector_store %arg6[%swap3A_299], %swap3A_302 {strides = array<i32>} : memref<1024xi32, #tpu.memory_space<vmem>>, vector<16xi32>,
    %add3A_303 = arith.constant 4800000 : i32
    %add3A_304 = arith.addi %add3A_303, %squeeze3A_278 : i32
    %add3A_305 = vector.broadcast %add3A_304 : i32 to vector<16xi32>
    %add3A_306 = arith.addi %mul3A_5, %add3A_305 : vector<16xi32>
    %swap3A_307 = arith.constant 560 : index
    %swap3A_308 = tpu.vector_load %arg6[%swap3A_307] {strides = array<i32>} : memref<1024xi32, #tpu.memory_space<vmem>>, vector<16xi32>,
    %swap3A_309 = vector.shape_cast %swap3A_308 : vector<16xi32> to vector<16xi32>
    %swap3A_310 = vector.shape_cast %add3A_306 : vector<16xi32> to vector<16xi32>
    tpu.vector_store %arg6[%swap3A_307], %swap3A_310 {strides = array<i32>} : memref<1024xi32, #tpu.memory_space<vmem>>, vector<16xi32>,
    %slice3A_311 = vector.extract_strided_slice %get3A_7 {offsets = [9], sizes = [1], strides = [1]} : vector<16xi32> to vector<1xi32>
    %squeeze3A_312 = vector.extract %slice3A_311[0] : i32 from vector<1xi32>
    %add3A_313 = arith.constant 0 : i32
    %add3A_314 = arith.addi %add3A_313, %squeeze3A_312 : i32
    %add3A_315 = vector.broadcast %add3A_314 : i32 to vector<16xi32>
    %add3A_316 = arith.addi %mul3A_5, %add3A_315 : vector<16xi32>
    %swap3A_317 = arith.constant 576 : index
    %swap3A_318 = tpu.vector_load %arg6[%swap3A_317] {strides = array<i32>} : memref<1024xi32, #tpu.memory_space<vmem>>, vector<16xi32>,
    %swap3A_319 = vector.shape_cast %swap3A_318 : vector<16xi32> to vector<16xi32>
    %swap3A_320 = vector.shape_cast %add3A_316 : vector<16xi32> to vector<16xi32>
    tpu.vector_store %arg6[%swap3A_317], %swap3A_320 {strides = array<i32>} : memref<1024xi32, #tpu.memory_space<vmem>>, vector<16xi32>,
    %add3A_321 = arith.constant 1600000 : i32
    %add3A_322 = arith.addi %add3A_321, %squeeze3A_312 : i32
    %add3A_323 = vector.broadcast %add3A_322 : i32 to vector<16xi32>
    %add3A_324 = arith.addi %mul3A_5, %add3A_323 : vector<16xi32>
    %swap3A_325 = arith.constant 592 : index
    %swap3A_326 = tpu.vector_load %arg6[%swap3A_325] {strides = array<i32>} : memref<1024xi32, #tpu.memory_space<vmem>>, vector<16xi32>,
    %swap3A_327 = vector.shape_cast %swap3A_326 : vector<16xi32> to vector<16xi32>
    %swap3A_328 = vector.shape_cast %add3A_324 : vector<16xi32> to vector<16xi32>
    tpu.vector_store %arg6[%swap3A_325], %swap3A_328 {strides = array<i32>} : memref<1024xi32, #tpu.memory_space<vmem>>, vector<16xi32>,
    %add3A_329 = arith.constant 3200000 : i32
    %add3A_330 = arith.addi %add3A_329, %squeeze3A_312 : i32
    %add3A_331 = vector.broadcast %add3A_330 : i32 to vector<16xi32>
    %add3A_332 = arith.addi %mul3A_5, %add3A_331 : vector<16xi32>
    %swap3A_333 = arith.constant 608 : index
    %swap3A_334 = tpu.vector_load %arg6[%swap3A_333] {strides = array<i32>} : memref<1024xi32, #tpu.memory_space<vmem>>, vector<16xi32>,
    %swap3A_335 = vector.shape_cast %swap3A_334 : vector<16xi32> to vector<16xi32>
    %swap3A_336 = vector.shape_cast %add3A_332 : vector<16xi32> to vector<16xi32>
    tpu.vector_store %arg6[%swap3A_333], %swap3A_336 {strides = array<i32>} : memref<1024xi32, #tpu.memory_space<vmem>>, vector<16xi32>,
    %add3A_337 = arith.constant 4800000 : i32
    %add3A_338 = arith.addi %add3A_337, %squeeze3A_312 : i32
    %add3A_339 = vector.broadcast %add3A_338 : i32 to vector<16xi32>
    %add3A_340 = arith.addi %mul3A_5, %add3A_339 : vector<16xi32>
    %swap3A_341 = arith.constant 624 : index
    %swap3A_342 = tpu.vector_load %arg6[%swap3A_341] {strides = array<i32>} : memref<1024xi32, #tpu.memory_space<vmem>>, vector<16xi32>,
    %swap3A_343 = vector.shape_cast %swap3A_342 : vector<16xi32> to vector<16xi32>
    %swap3A_344 = vector.shape_cast %add3A_340 : vector<16xi32> to vector<16xi32>
    tpu.vector_store %arg6[%swap3A_341], %swap3A_344 {strides = array<i32>} : memref<1024xi32, #tpu.memory_space<vmem>>, vector<16xi32>,
    %slice3A_345 = vector.extract_strided_slice %get3A_7 {offsets = [10], sizes = [1], strides = [1]} : vector<16xi32> to vector<1xi32>
    %squeeze3A_346 = vector.extract %slice3A_345[0] : i32 from vector<1xi32>
    %add3A_347 = arith.constant 0 : i32
    %add3A_348 = arith.addi %add3A_347, %squeeze3A_346 : i32
    %add3A_349 = vector.broadcast %add3A_348 : i32 to vector<16xi32>
    %add3A_350 = arith.addi %mul3A_5, %add3A_349 : vector<16xi32>
    %swap3A_351 = arith.constant 640 : index
    %swap3A_352 = tpu.vector_load %arg6[%swap3A_351] {strides = array<i32>} : memref<1024xi32, #tpu.memory_space<vmem>>, vector<16xi32>,
    %swap3A_353 = vector.shape_cast %swap3A_352 : vector<16xi32> to vector<16xi32>
    %swap3A_354 = vector.shape_cast %add3A_350 : vector<16xi32> to vector<16xi32>
    tpu.vector_store %arg6[%swap3A_351], %swap3A_354 {strides = array<i32>} : memref<1024xi32, #tpu.memory_space<vmem>>, vector<16xi32>,
    %add3A_355 = arith.constant 1600000 : i32
    %add3A_356 = arith.addi %add3A_355, %squeeze3A_346 : i32
    %add3A_357 = vector.broadcast %add3A_356 : i32 to vector<16xi32>
    %add3A_358 = arith.addi %mul3A_5, %add3A_357 : vector<16xi32>
    %swap3A_359 = arith.constant 656 : index
    %swap3A_360 = tpu.vector_load %arg6[%swap3A_359] {strides = array<i32>} : memref<1024xi32, #tpu.memory_space<vmem>>, vector<16xi32>,
    %swap3A_361 = vector.shape_cast %swap3A_360 : vector<16xi32> to vector<16xi32>
    %swap3A_362 = vector.shape_cast %add3A_358 : vector<16xi32> to vector<16xi32>
    tpu.vector_store %arg6[%swap3A_359], %swap3A_362 {strides = array<i32>} : memref<1024xi32, #tpu.memory_space<vmem>>, vector<16xi32>,
    %add3A_363 = arith.constant 3200000 : i32
    %add3A_364 = arith.addi %add3A_363, %squeeze3A_346 : i32
    %add3A_365 = vector.broadcast %add3A_364 : i32 to vector<16xi32>
    %add3A_366 = arith.addi %mul3A_5, %add3A_365 : vector<16xi32>
    %swap3A_367 = arith.constant 672 : index
    %swap3A_368 = tpu.vector_load %arg6[%swap3A_367] {strides = array<i32>} : memref<1024xi32, #tpu.memory_space<vmem>>, vector<16xi32>,
    %swap3A_369 = vector.shape_cast %swap3A_368 : vector<16xi32> to vector<16xi32>
    %swap3A_370 = vector.shape_cast %add3A_366 : vector<16xi32> to vector<16xi32>
    tpu.vector_store %arg6[%swap3A_367], %swap3A_370 {strides = array<i32>} : memref<1024xi32, #tpu.memory_space<vmem>>, vector<16xi32>,
    %add3A_371 = arith.constant 4800000 : i32
    %add3A_372 = arith.addi %add3A_371, %squeeze3A_346 : i32
    %add3A_373 = vector.broadcast %add3A_372 : i32 to vector<16xi32>
    %add3A_374 = arith.addi %mul3A_5, %add3A_373 : vector<16xi32>
    %swap3A_375 = arith.constant 688 : index
    %swap3A_376 = tpu.vector_load %arg6[%swap3A_375] {strides = array<i32>} : memref<1024xi32, #tpu.memory_space<vmem>>, vector<16xi32>,
    %swap3A_377 = vector.shape_cast %swap3A_376 : vector<16xi32> to vector<16xi32>
    %swap3A_378 = vector.shape_cast %add3A_374 : vector<16xi32> to vector<16xi32>
    tpu.vector_store %arg6[%swap3A_375], %swap3A_378 {strides = array<i32>} : memref<1024xi32, #tpu.memory_space<vmem>>, vector<16xi32>,
    %slice3A_379 = vector.extract_strided_slice %get3A_7 {offsets = [11], sizes = [1], strides = [1]} : vector<16xi32> to vector<1xi32>
    %squeeze3A_380 = vector.extract %slice3A_379[0] : i32 from vector<1xi32>
    %add3A_381 = arith.constant 0 : i32
    %add3A_382 = arith.addi %add3A_381, %squeeze3A_380 : i32
    %add3A_383 = vector.broadcast %add3A_382 : i32 to vector<16xi32>
    %add3A_384 = arith.addi %mul3A_5, %add3A_383 : vector<16xi32>
    %swap3A_385 = arith.constant 704 : index
    %swap3A_386 = tpu.vector_load %arg6[%swap3A_385] {strides = array<i32>} : memref<1024xi32, #tpu.memory_space<vmem>>, vector<16xi32>,
    %swap3A_387 = vector.shape_cast %swap3A_386 : vector<16xi32> to vector<16xi32>
    %swap3A_388 = vector.shape_cast %add3A_384 : vector<16xi32> to vector<16xi32>
    tpu.vector_store %arg6[%swap3A_385], %swap3A_388 {strides = array<i32>} : memref<1024xi32, #tpu.memory_space<vmem>>, vector<16xi32>,
    %add3A_389 = arith.constant 1600000 : i32
    %add3A_390 = arith.addi %add3A_389, %squeeze3A_380 : i32
    %add3A_391 = vector.broadcast %add3A_390 : i32 to vector<16xi32>
    %add3A_392 = arith.addi %mul3A_5, %add3A_391 : vector<16xi32>
    %swap3A_393 = arith.constant 720 : index
    %swap3A_394 = tpu.vector_load %arg6[%swap3A_393] {strides = array<i32>} : memref<1024xi32, #tpu.memory_space<vmem>>, vector<16xi32>,
    %swap3A_395 = vector.shape_cast %swap3A_394 : vector<16xi32> to vector<16xi32>
    %swap3A_396 = vector.shape_cast %add3A_392 : vector<16xi32> to vector<16xi32>
    tpu.vector_store %arg6[%swap3A_393], %swap3A_396 {strides = array<i32>} : memref<1024xi32, #tpu.memory_space<vmem>>, vector<16xi32>,
    %add3A_397 = arith.constant 3200000 : i32
    %add3A_398 = arith.addi %add3A_397, %squeeze3A_380 : i32
    %add3A_399 = vector.broadcast %add3A_398 : i32 to vector<16xi32>
    %add3A_400 = arith.addi %mul3A_5, %add3A_399 : vector<16xi32>
    %swap3A_401 = arith.constant 736 : index
    %swap3A_402 = tpu.vector_load %arg6[%swap3A_401] {strides = array<i32>} : memref<1024xi32, #tpu.memory_space<vmem>>, vector<16xi32>,
    %swap3A_403 = vector.shape_cast %swap3A_402 : vector<16xi32> to vector<16xi32>
    %swap3A_404 = vector.shape_cast %add3A_400 : vector<16xi32> to vector<16xi32>
    tpu.vector_store %arg6[%swap3A_401], %swap3A_404 {strides = array<i32>} : memref<1024xi32, #tpu.memory_space<vmem>>, vector<16xi32>,
    %add3A_405 = arith.constant 4800000 : i32
    %add3A_406 = arith.addi %add3A_405, %squeeze3A_380 : i32
    %add3A_407 = vector.broadcast %add3A_406 : i32 to vector<16xi32>
    %add3A_408 = arith.addi %mul3A_5, %add3A_407 : vector<16xi32>
    %swap3A_409 = arith.constant 752 : index
    %swap3A_410 = tpu.vector_load %arg6[%swap3A_409] {strides = array<i32>} : memref<1024xi32, #tpu.memory_space<vmem>>, vector<16xi32>,
    %swap3A_411 = vector.shape_cast %swap3A_410 : vector<16xi32> to vector<16xi32>
    %swap3A_412 = vector.shape_cast %add3A_408 : vector<16xi32> to vector<16xi32>
    tpu.vector_store %arg6[%swap3A_409], %swap3A_412 {strides = array<i32>} : memref<1024xi32, #tpu.memory_space<vmem>>, vector<16xi32>,
    %slice3A_413 = vector.extract_strided_slice %get3A_7 {offsets = [12], sizes = [1], strides = [1]} : vector<16xi32> to vector<1xi32>
    %squeeze3A_414 = vector.extract %slice3A_413[0] : i32 from vector<1xi32>
    %add3A_415 = arith.constant 0 : i32
    %add3A_416 = arith.addi %add3A_415, %squeeze3A_414 : i32
    %add3A_417 = vector.broadcast %add3A_416 : i32 to vector<16xi32>
    %add3A_418 = arith.addi %mul3A_5, %add3A_417 : vector<16xi32>
    %swap3A_419 = arith.constant 768 : index
    %swap3A_420 = tpu.vector_load %arg6[%swap3A_419] {strides = array<i32>} : memref<1024xi32, #tpu.memory_space<vmem>>, vector<16xi32>,
    %swap3A_421 = vector.shape_cast %swap3A_420 : vector<16xi32> to vector<16xi32>
    %swap3A_422 = vector.shape_cast %add3A_418 : vector<16xi32> to vector<16xi32>
    tpu.vector_store %arg6[%swap3A_419], %swap3A_422 {strides = array<i32>} : memref<1024xi32, #tpu.memory_space<vmem>>, vector<16xi32>,
    %add3A_423 = arith.constant 1600000 : i32
    %add3A_424 = arith.addi %add3A_423, %squeeze3A_414 : i32
    %add3A_425 = vector.broadcast %add3A_424 : i32 to vector<16xi32>
    %add3A_426 = arith.addi %mul3A_5, %add3A_425 : vector<16xi32>
    %swap3A_427 = arith.constant 784 : index
    %swap3A_428 = tpu.vector_load %arg6[%swap3A_427] {strides = array<i32>} : memref<1024xi32, #tpu.memory_space<vmem>>, vector<16xi32>,
    %swap3A_429 = vector.shape_cast %swap3A_428 : vector<16xi32> to vector<16xi32>
    %swap3A_430 = vector.shape_cast %add3A_426 : vector<16xi32> to vector<16xi32>
    tpu.vector_store %arg6[%swap3A_427], %swap3A_430 {strides = array<i32>} : memref<1024xi32, #tpu.memory_space<vmem>>, vector<16xi32>,
    %add3A_431 = arith.constant 3200000 : i32
    %add3A_432 = arith.addi %add3A_431, %squeeze3A_414 : i32
    %add3A_433 = vector.broadcast %add3A_432 : i32 to vector<16xi32>
    %add3A_434 = arith.addi %mul3A_5, %add3A_433 : vector<16xi32>
    %swap3A_435 = arith.constant 800 : index
    %swap3A_436 = tpu.vector_load %arg6[%swap3A_435] {strides = array<i32>} : memref<1024xi32, #tpu.memory_space<vmem>>, vector<16xi32>,
    %swap3A_437 = vector.shape_cast %swap3A_436 : vector<16xi32> to vector<16xi32>
    %swap3A_438 = vector.shape_cast %add3A_434 : vector<16xi32> to vector<16xi32>
    tpu.vector_store %arg6[%swap3A_435], %swap3A_438 {strides = array<i32>} : memref<1024xi32, #tpu.memory_space<vmem>>, vector<16xi32>,
    %add3A_439 = arith.constant 4800000 : i32
    %add3A_440 = arith.addi %add3A_439, %squeeze3A_414 : i32
    %add3A_441 = vector.broadcast %add3A_440 : i32 to vector<16xi32>
    %add3A_442 = arith.addi %mul3A_5, %add3A_441 : vector<16xi32>
    %swap3A_443 = arith.constant 816 : index
    %swap3A_444 = tpu.vector_load %arg6[%swap3A_443] {strides = array<i32>} : memref<1024xi32, #tpu.memory_space<vmem>>, vector<16xi32>,
    %swap3A_445 = vector.shape_cast %swap3A_444 : vector<16xi32> to vector<16xi32>
    %swap3A_446 = vector.shape_cast %add3A_442 : vector<16xi32> to vector<16xi32>
    tpu.vector_store %arg6[%swap3A_443], %swap3A_446 {strides = array<i32>} : memref<1024xi32, #tpu.memory_space<vmem>>, vector<16xi32>,
    %slice3A_447 = vector.extract_strided_slice %get3A_7 {offsets = [13], sizes = [1], strides = [1]} : vector<16xi32> to vector<1xi32>
    %squeeze3A_448 = vector.extract %slice3A_447[0] : i32 from vector<1xi32>
    %add3A_449 = arith.constant 0 : i32
    %add3A_450 = arith.addi %add3A_449, %squeeze3A_448 : i32
    %add3A_451 = vector.broadcast %add3A_450 : i32 to vector<16xi32>
    %add3A_452 = arith.addi %mul3A_5, %add3A_451 : vector<16xi32>
    %swap3A_453 = arith.constant 832 : index
    %swap3A_454 = tpu.vector_load %arg6[%swap3A_453] {strides = array<i32>} : memref<1024xi32, #tpu.memory_space<vmem>>, vector<16xi32>,
    %swap3A_455 = vector.shape_cast %swap3A_454 : vector<16xi32> to vector<16xi32>
    %swap3A_456 = vector.shape_cast %add3A_452 : vector<16xi32> to vector<16xi32>
    tpu.vector_store %arg6[%swap3A_453], %swap3A_456 {strides = array<i32>} : memref<1024xi32, #tpu.memory_space<vmem>>, vector<16xi32>,
    %add3A_457 = arith.constant 1600000 : i32
    %add3A_458 = arith.addi %add3A_457, %squeeze3A_448 : i32
    %add3A_459 = vector.broadcast %add3A_458 : i32 to vector<16xi32>
    %add3A_460 = arith.addi %mul3A_5, %add3A_459 : vector<16xi32>
    %swap3A_461 = arith.constant 848 : index
    %swap3A_462 = tpu.vector_load %arg6[%swap3A_461] {strides = array<i32>} : memref<1024xi32, #tpu.memory_space<vmem>>, vector<16xi32>,
    %swap3A_463 = vector.shape_cast %swap3A_462 : vector<16xi32> to vector<16xi32>
    %swap3A_464 = vector.shape_cast %add3A_460 : vector<16xi32> to vector<16xi32>
    tpu.vector_store %arg6[%swap3A_461], %swap3A_464 {strides = array<i32>} : memref<1024xi32, #tpu.memory_space<vmem>>, vector<16xi32>,
    %add3A_465 = arith.constant 3200000 : i32
    %add3A_466 = arith.addi %add3A_465, %squeeze3A_448 : i32
    %add3A_467 = vector.broadcast %add3A_466 : i32 to vector<16xi32>
    %add3A_468 = arith.addi %mul3A_5, %add3A_467 : vector<16xi32>
    %swap3A_469 = arith.constant 864 : index
    %swap3A_470 = tpu.vector_load %arg6[%swap3A_469] {strides = array<i32>} : memref<1024xi32, #tpu.memory_space<vmem>>, vector<16xi32>,
    %swap3A_471 = vector.shape_cast %swap3A_470 : vector<16xi32> to vector<16xi32>
    %swap3A_472 = vector.shape_cast %add3A_468 : vector<16xi32> to vector<16xi32>
    tpu.vector_store %arg6[%swap3A_469], %swap3A_472 {strides = array<i32>} : memref<1024xi32, #tpu.memory_space<vmem>>, vector<16xi32>,
    %add3A_473 = arith.constant 4800000 : i32
    %add3A_474 = arith.addi %add3A_473, %squeeze3A_448 : i32
    %add3A_475 = vector.broadcast %add3A_474 : i32 to vector<16xi32>
    %add3A_476 = arith.addi %mul3A_5, %add3A_475 : vector<16xi32>
    %swap3A_477 = arith.constant 880 : index
    %swap3A_478 = tpu.vector_load %arg6[%swap3A_477] {strides = array<i32>} : memref<1024xi32, #tpu.memory_space<vmem>>, vector<16xi32>,
    %swap3A_479 = vector.shape_cast %swap3A_478 : vector<16xi32> to vector<16xi32>
    %swap3A_480 = vector.shape_cast %add3A_476 : vector<16xi32> to vector<16xi32>
    tpu.vector_store %arg6[%swap3A_477], %swap3A_480 {strides = array<i32>} : memref<1024xi32, #tpu.memory_space<vmem>>, vector<16xi32>,
    %slice3A_481 = vector.extract_strided_slice %get3A_7 {offsets = [14], sizes = [1], strides = [1]} : vector<16xi32> to vector<1xi32>
    %squeeze3A_482 = vector.extract %slice3A_481[0] : i32 from vector<1xi32>
    %add3A_483 = arith.constant 0 : i32
    %add3A_484 = arith.addi %add3A_483, %squeeze3A_482 : i32
    %add3A_485 = vector.broadcast %add3A_484 : i32 to vector<16xi32>
    %add3A_486 = arith.addi %mul3A_5, %add3A_485 : vector<16xi32>
    %swap3A_487 = arith.constant 896 : index
    %swap3A_488 = tpu.vector_load %arg6[%swap3A_487] {strides = array<i32>} : memref<1024xi32, #tpu.memory_space<vmem>>, vector<16xi32>,
    %swap3A_489 = vector.shape_cast %swap3A_488 : vector<16xi32> to vector<16xi32>
    %swap3A_490 = vector.shape_cast %add3A_486 : vector<16xi32> to vector<16xi32>
    tpu.vector_store %arg6[%swap3A_487], %swap3A_490 {strides = array<i32>} : memref<1024xi32, #tpu.memory_space<vmem>>, vector<16xi32>,
    %add3A_491 = arith.constant 1600000 : i32
    %add3A_492 = arith.addi %add3A_491, %squeeze3A_482 : i32
    %add3A_493 = vector.broadcast %add3A_492 : i32 to vector<16xi32>
    %add3A_494 = arith.addi %mul3A_5, %add3A_493 : vector<16xi32>
    %swap3A_495 = arith.constant 912 : index
    %swap3A_496 = tpu.vector_load %arg6[%swap3A_495] {strides = array<i32>} : memref<1024xi32, #tpu.memory_space<vmem>>, vector<16xi32>,
    %swap3A_497 = vector.shape_cast %swap3A_496 : vector<16xi32> to vector<16xi32>
    %swap3A_498 = vector.shape_cast %add3A_494 : vector<16xi32> to vector<16xi32>
    tpu.vector_store %arg6[%swap3A_495], %swap3A_498 {strides = array<i32>} : memref<1024xi32, #tpu.memory_space<vmem>>, vector<16xi32>,
    %add3A_499 = arith.constant 3200000 : i32
    %add3A_500 = arith.addi %add3A_499, %squeeze3A_482 : i32
    %add3A_501 = vector.broadcast %add3A_500 : i32 to vector<16xi32>
    %add3A_502 = arith.addi %mul3A_5, %add3A_501 : vector<16xi32>
    %swap3A_503 = arith.constant 928 : index
    %swap3A_504 = tpu.vector_load %arg6[%swap3A_503] {strides = array<i32>} : memref<1024xi32, #tpu.memory_space<vmem>>, vector<16xi32>,
    %swap3A_505 = vector.shape_cast %swap3A_504 : vector<16xi32> to vector<16xi32>
    %swap3A_506 = vector.shape_cast %add3A_502 : vector<16xi32> to vector<16xi32>
    tpu.vector_store %arg6[%swap3A_503], %swap3A_506 {strides = array<i32>} : memref<1024xi32, #tpu.memory_space<vmem>>, vector<16xi32>,
    %add3A_507 = arith.constant 4800000 : i32
    %add3A_508 = arith.addi %add3A_507, %squeeze3A_482 : i32
    %add3A_509 = vector.broadcast %add3A_508 : i32 to vector<16xi32>
    %add3A_510 = arith.addi %mul3A_5, %add3A_509 : vector<16xi32>
    %swap3A_511 = arith.constant 944 : index
    %swap3A_512 = tpu.vector_load %arg6[%swap3A_511] {strides = array<i32>} : memref<1024xi32, #tpu.memory_space<vmem>>, vector<16xi32>,
    %swap3A_513 = vector.shape_cast %swap3A_512 : vector<16xi32> to vector<16xi32>
    %swap3A_514 = vector.shape_cast %add3A_510 : vector<16xi32> to vector<16xi32>
    tpu.vector_store %arg6[%swap3A_511], %swap3A_514 {strides = array<i32>} : memref<1024xi32, #tpu.memory_space<vmem>>, vector<16xi32>,
    %slice3A_515 = vector.extract_strided_slice %get3A_7 {offsets = [15], sizes = [1], strides = [1]} : vector<16xi32> to vector<1xi32>
    %squeeze3A_516 = vector.extract %slice3A_515[0] : i32 from vector<1xi32>
    %add3A_517 = arith.constant 0 : i32
    %add3A_518 = arith.addi %add3A_517, %squeeze3A_516 : i32
    %add3A_519 = vector.broadcast %add3A_518 : i32 to vector<16xi32>
    %add3A_520 = arith.addi %mul3A_5, %add3A_519 : vector<16xi32>
    %swap3A_521 = arith.constant 960 : index
    %swap3A_522 = tpu.vector_load %arg6[%swap3A_521] {strides = array<i32>} : memref<1024xi32, #tpu.memory_space<vmem>>, vector<16xi32>,
    %swap3A_523 = vector.shape_cast %swap3A_522 : vector<16xi32> to vector<16xi32>
    %swap3A_524 = vector.shape_cast %add3A_520 : vector<16xi32> to vector<16xi32>
    tpu.vector_store %arg6[%swap3A_521], %swap3A_524 {strides = array<i32>} : memref<1024xi32, #tpu.memory_space<vmem>>, vector<16xi32>,
    %add3A_525 = arith.constant 1600000 : i32
    %add3A_526 = arith.addi %add3A_525, %squeeze3A_516 : i32
    %add3A_527 = vector.broadcast %add3A_526 : i32 to vector<16xi32>
    %add3A_528 = arith.addi %mul3A_5, %add3A_527 : vector<16xi32>
    %swap3A_529 = arith.constant 976 : index
    %swap3A_530 = tpu.vector_load %arg6[%swap3A_529] {strides = array<i32>} : memref<1024xi32, #tpu.memory_space<vmem>>, vector<16xi32>,
    %swap3A_531 = vector.shape_cast %swap3A_530 : vector<16xi32> to vector<16xi32>
    %swap3A_532 = vector.shape_cast %add3A_528 : vector<16xi32> to vector<16xi32>
    tpu.vector_store %arg6[%swap3A_529], %swap3A_532 {strides = array<i32>} : memref<1024xi32, #tpu.memory_space<vmem>>, vector<16xi32>,
    %add3A_533 = arith.constant 3200000 : i32
    %add3A_534 = arith.addi %add3A_533, %squeeze3A_516 : i32
    %add3A_535 = vector.broadcast %add3A_534 : i32 to vector<16xi32>
    %add3A_536 = arith.addi %mul3A_5, %add3A_535 : vector<16xi32>
    %swap3A_537 = arith.constant 992 : index
    %swap3A_538 = tpu.vector_load %arg6[%swap3A_537] {strides = array<i32>} : memref<1024xi32, #tpu.memory_space<vmem>>, vector<16xi32>,
    %swap3A_539 = vector.shape_cast %swap3A_538 : vector<16xi32> to vector<16xi32>
    %swap3A_540 = vector.shape_cast %add3A_536 : vector<16xi32> to vector<16xi32>
    tpu.vector_store %arg6[%swap3A_537], %swap3A_540 {strides = array<i32>} : memref<1024xi32, #tpu.memory_space<vmem>>, vector<16xi32>,
    %add3A_541 = arith.constant 4800000 : i32
    %add3A_542 = arith.addi %add3A_541, %squeeze3A_516 : i32
    %add3A_543 = vector.broadcast %add3A_542 : i32 to vector<16xi32>
    %add3A_544 = arith.addi %mul3A_5, %add3A_543 : vector<16xi32>
    %swap3A_545 = arith.constant 1008 : index
    %swap3A_546 = tpu.vector_load %arg6[%swap3A_545] {strides = array<i32>} : memref<1024xi32, #tpu.memory_space<vmem>>, vector<16xi32>,
    %swap3A_547 = vector.shape_cast %swap3A_546 : vector<16xi32> to vector<16xi32>
    %swap3A_548 = vector.shape_cast %add3A_544 : vector<16xi32> to vector<16xi32>
    tpu.vector_store %arg6[%swap3A_545], %swap3A_548 {strides = array<i32>} : memref<1024xi32, #tpu.memory_space<vmem>>, vector<16xi32>,
    %dma_start3A = arith.constant 0 : i32
    %dma_start3A_549 = arith.constant 0 : i32
    %dma_start3A_550 = tpu.memref_slice %arg7[%dma_start3A, %dma_start3A_549] : memref<8x128xf32, #tpu.memory_space<vmem>> -> memref<1x128xf32, #tpu.memory_space<vmem>>
    %dma_start3A_551 = tpu.memref_squeeze %dma_start3A_550 : memref<1x128xf32, #tpu.memory_space<vmem>> -> memref<128xf32, #tpu.memory_space<vmem>>
    %dma_start3A_552 = arith.constant 0 : i32
    %dma_start3A_553 = tpu.memref_slice %arg6[%dma_start3A_552] : memref<1024xi32, #tpu.memory_space<vmem>> -> memref<128xi32, #tpu.memory_space<vmem>>
    %dma_start3A_554 = arith.constant 0 : i32
    %dma_start3A_555 = tpu.memref_slice %arg2[%dma_start3A_554] : memref<6400000xf32, #tpu.memory_space<hbm>> -> memref<6400000xf32, #tpu.memory_space<hbm>>
    tpu.enqueue_indirect_dma source(%dma_start3A_555 : memref<6400000xf32, #tpu.memory_space<hbm>>) target(%dma_start3A_551 : memref<128xf32, #tpu.memory_space<vmem>>) offsets(%dma_start3A_553 : memref<128xi32, #tpu.memory_space<vmem>>) semaphore(%arg8 : memref<!tpu.dma_semaphore, #tpu.memory_space<semaphore_mem>>)
    %dma_start3A_556 = arith.constant 1 : i32
    %dma_start3A_557 = arith.constant 0 : i32
    %dma_start3A_558 = tpu.memref_slice %arg7[%dma_start3A_556, %dma_start3A_557] : memref<8x128xf32, #tpu.memory_space<vmem>> -> memref<1x128xf32, #tpu.memory_space<vmem>>
    %dma_start3A_559 = tpu.memref_squeeze %dma_start3A_558 : memref<1x128xf32, #tpu.memory_space<vmem>> -> memref<128xf32, #tpu.memory_space<vmem>>
    %dma_start3A_560 = arith.constant 128 : i32
    %dma_start3A_561 = tpu.memref_slice %arg6[%dma_start3A_560] : memref<1024xi32, #tpu.memory_space<vmem>> -> memref<128xi32, #tpu.memory_space<vmem>>
    %dma_start3A_562 = arith.constant 0 : i32
    %dma_start3A_563 = tpu.memref_slice %arg2[%dma_start3A_562] : memref<6400000xf32, #tpu.memory_space<hbm>> -> memref<6400000xf32, #tpu.memory_space<hbm>>
    tpu.enqueue_indirect_dma source(%dma_start3A_563 : memref<6400000xf32, #tpu.memory_space<hbm>>) target(%dma_start3A_559 : memref<128xf32, #tpu.memory_space<vmem>>) offsets(%dma_start3A_561 : memref<128xi32, #tpu.memory_space<vmem>>) semaphore(%arg8 : memref<!tpu.dma_semaphore, #tpu.memory_space<semaphore_mem>>)
    %dma_start3A_564 = arith.constant 2 : i32
    %dma_start3A_565 = arith.constant 0 : i32
    %dma_start3A_566 = tpu.memref_slice %arg7[%dma_start3A_564, %dma_start3A_565] : memref<8x128xf32, #tpu.memory_space<vmem>> -> memref<1x128xf32, #tpu.memory_space<vmem>>
    %dma_start3A_567 = tpu.memref_squeeze %dma_start3A_566 : memref<1x128xf32, #tpu.memory_space<vmem>> -> memref<128xf32, #tpu.memory_space<vmem>>
    %dma_start3A_568 = arith.constant 256 : i32
    %dma_start3A_569 = tpu.memref_slice %arg6[%dma_start3A_568] : memref<1024xi32, #tpu.memory_space<vmem>> -> memref<128xi32, #tpu.memory_space<vmem>>
    %dma_start3A_570 = arith.constant 0 : i32
    %dma_start3A_571 = tpu.memref_slice %arg2[%dma_start3A_570] : memref<6400000xf32, #tpu.memory_space<hbm>> -> memref<6400000xf32, #tpu.memory_space<hbm>>
    tpu.enqueue_indirect_dma source(%dma_start3A_571 : memref<6400000xf32, #tpu.memory_space<hbm>>) target(%dma_start3A_567 : memref<128xf32, #tpu.memory_space<vmem>>) offsets(%dma_start3A_569 : memref<128xi32, #tpu.memory_space<vmem>>) semaphore(%arg8 : memref<!tpu.dma_semaphore, #tpu.memory_space<semaphore_mem>>)
    %dma_start3A_572 = arith.constant 3 : i32
    %dma_start3A_573 = arith.constant 0 : i32
    %dma_start3A_574 = tpu.memref_slice %arg7[%dma_start3A_572, %dma_start3A_573] : memref<8x128xf32, #tpu.memory_space<vmem>> -> memref<1x128xf32, #tpu.memory_space<vmem>>
    %dma_start3A_575 = tpu.memref_squeeze %dma_start3A_574 : memref<1x128xf32, #tpu.memory_space<vmem>> -> memref<128xf32, #tpu.memory_space<vmem>>
    %dma_start3A_576 = arith.constant 384 : i32
    %dma_start3A_577 = tpu.memref_slice %arg6[%dma_start3A_576] : memref<1024xi32, #tpu.memory_space<vmem>> -> memref<128xi32, #tpu.memory_space<vmem>>
    %dma_start3A_578 = arith.constant 0 : i32
    %dma_start3A_579 = tpu.memref_slice %arg2[%dma_start3A_578] : memref<6400000xf32, #tpu.memory_space<hbm>> -> memref<6400000xf32, #tpu.memory_space<hbm>>
    tpu.enqueue_indirect_dma source(%dma_start3A_579 : memref<6400000xf32, #tpu.memory_space<hbm>>) target(%dma_start3A_575 : memref<128xf32, #tpu.memory_space<vmem>>) offsets(%dma_start3A_577 : memref<128xi32, #tpu.memory_space<vmem>>) semaphore(%arg8 : memref<!tpu.dma_semaphore, #tpu.memory_space<semaphore_mem>>)
    %dma_start3A_580 = arith.constant 4 : i32
    %dma_start3A_581 = arith.constant 0 : i32
    %dma_start3A_582 = tpu.memref_slice %arg7[%dma_start3A_580, %dma_start3A_581] : memref<8x128xf32, #tpu.memory_space<vmem>> -> memref<1x128xf32, #tpu.memory_space<vmem>>
    %dma_start3A_583 = tpu.memref_squeeze %dma_start3A_582 : memref<1x128xf32, #tpu.memory_space<vmem>> -> memref<128xf32, #tpu.memory_space<vmem>>
    %dma_start3A_584 = arith.constant 512 : i32
    %dma_start3A_585 = tpu.memref_slice %arg6[%dma_start3A_584] : memref<1024xi32, #tpu.memory_space<vmem>> -> memref<128xi32, #tpu.memory_space<vmem>>
    %dma_start3A_586 = arith.constant 0 : i32
    %dma_start3A_587 = tpu.memref_slice %arg2[%dma_start3A_586] : memref<6400000xf32, #tpu.memory_space<hbm>> -> memref<6400000xf32, #tpu.memory_space<hbm>>
    tpu.enqueue_indirect_dma source(%dma_start3A_587 : memref<6400000xf32, #tpu.memory_space<hbm>>) target(%dma_start3A_583 : memref<128xf32, #tpu.memory_space<vmem>>) offsets(%dma_start3A_585 : memref<128xi32, #tpu.memory_space<vmem>>) semaphore(%arg8 : memref<!tpu.dma_semaphore, #tpu.memory_space<semaphore_mem>>)
    %dma_start3A_588 = arith.constant 5 : i32
    %dma_start3A_589 = arith.constant 0 : i32
    %dma_start3A_590 = tpu.memref_slice %arg7[%dma_start3A_588, %dma_start3A_589] : memref<8x128xf32, #tpu.memory_space<vmem>> -> memref<1x128xf32, #tpu.memory_space<vmem>>
    %dma_start3A_591 = tpu.memref_squeeze %dma_start3A_590 : memref<1x128xf32, #tpu.memory_space<vmem>> -> memref<128xf32, #tpu.memory_space<vmem>>
    %dma_start3A_592 = arith.constant 640 : i32
    %dma_start3A_593 = tpu.memref_slice %arg6[%dma_start3A_592] : memref<1024xi32, #tpu.memory_space<vmem>> -> memref<128xi32, #tpu.memory_space<vmem>>
    %dma_start3A_594 = arith.constant 0 : i32
    %dma_start3A_595 = tpu.memref_slice %arg2[%dma_start3A_594] : memref<6400000xf32, #tpu.memory_space<hbm>> -> memref<6400000xf32, #tpu.memory_space<hbm>>
    tpu.enqueue_indirect_dma source(%dma_start3A_595 : memref<6400000xf32, #tpu.memory_space<hbm>>) target(%dma_start3A_591 : memref<128xf32, #tpu.memory_space<vmem>>) offsets(%dma_start3A_593 : memref<128xi32, #tpu.memory_space<vmem>>) semaphore(%arg8 : memref<!tpu.dma_semaphore, #tpu.memory_space<semaphore_mem>>)
    %dma_start3A_596 = arith.constant 6 : i32
    %dma_start3A_597 = arith.constant 0 : i32
    %dma_start3A_598 = tpu.memref_slice %arg7[%dma_start3A_596, %dma_start3A_597] : memref<8x128xf32, #tpu.memory_space<vmem>> -> memref<1x128xf32, #tpu.memory_space<vmem>>
    %dma_start3A_599 = tpu.memref_squeeze %dma_start3A_598 : memref<1x128xf32, #tpu.memory_space<vmem>> -> memref<128xf32, #tpu.memory_space<vmem>>
    %dma_start3A_600 = arith.constant 768 : i32
    %dma_start3A_601 = tpu.memref_slice %arg6[%dma_start3A_600] : memref<1024xi32, #tpu.memory_space<vmem>> -> memref<128xi32, #tpu.memory_space<vmem>>
    %dma_start3A_602 = arith.constant 0 : i32
    %dma_start3A_603 = tpu.memref_slice %arg2[%dma_start3A_602] : memref<6400000xf32, #tpu.memory_space<hbm>> -> memref<6400000xf32, #tpu.memory_space<hbm>>
    tpu.enqueue_indirect_dma source(%dma_start3A_603 : memref<6400000xf32, #tpu.memory_space<hbm>>) target(%dma_start3A_599 : memref<128xf32, #tpu.memory_space<vmem>>) offsets(%dma_start3A_601 : memref<128xi32, #tpu.memory_space<vmem>>) semaphore(%arg8 : memref<!tpu.dma_semaphore, #tpu.memory_space<semaphore_mem>>)
    %dma_start3A_604 = arith.constant 7 : i32
    %dma_start3A_605 = arith.constant 0 : i32
    %dma_start3A_606 = tpu.memref_slice %arg7[%dma_start3A_604, %dma_start3A_605] : memref<8x128xf32, #tpu.memory_space<vmem>> -> memref<1x128xf32, #tpu.memory_space<vmem>>
    %dma_start3A_607 = tpu.memref_squeeze %dma_start3A_606 : memref<1x128xf32, #tpu.memory_space<vmem>> -> memref<128xf32, #tpu.memory_space<vmem>>
    %dma_start3A_608 = arith.constant 896 : i32
    %dma_start3A_609 = tpu.memref_slice %arg6[%dma_start3A_608] : memref<1024xi32, #tpu.memory_space<vmem>> -> memref<128xi32, #tpu.memory_space<vmem>>
    %dma_start3A_610 = arith.constant 0 : i32
    %dma_start3A_611 = tpu.memref_slice %arg2[%dma_start3A_610] : memref<6400000xf32, #tpu.memory_space<hbm>> -> memref<6400000xf32, #tpu.memory_space<hbm>>
    tpu.enqueue_indirect_dma source(%dma_start3A_611 : memref<6400000xf32, #tpu.memory_space<hbm>>) target(%dma_start3A_607 : memref<128xf32, #tpu.memory_space<vmem>>) offsets(%dma_start3A_609 : memref<128xi32, #tpu.memory_space<vmem>>) semaphore(%arg8 : memref<!tpu.dma_semaphore, #tpu.memory_space<semaphore_mem>>)
    %dma_wait3A = arith.constant 0 : i32
    %dma_wait3A_612 = arith.constant 0 : i32
    %dma_wait3A_613 = tpu.memref_slice %arg7[%dma_wait3A, %dma_wait3A_612] : memref<8x128xf32, #tpu.memory_space<vmem>> -> memref<1x128xf32, #tpu.memory_space<vmem>>
    %dma_wait3A_614 = tpu.memref_squeeze %dma_wait3A_613 : memref<1x128xf32, #tpu.memory_space<vmem>> -> memref<128xf32, #tpu.memory_space<vmem>>
    %dma_wait3A_615 = arith.constant 0 : i32
    %dma_wait3A_616 = tpu.memref_slice %arg6[%dma_wait3A_615] : memref<1024xi32, #tpu.memory_space<vmem>> -> memref<128xi32, #tpu.memory_space<vmem>>
    %dma_wait3A_617 = arith.constant 0 : i32
    %dma_wait3A_618 = tpu.memref_slice %arg2[%dma_wait3A_617] : memref<6400000xf32, #tpu.memory_space<hbm>> -> memref<6400000xf32, #tpu.memory_space<hbm>>
    tpu.wait_indirect_dma semaphore(%arg8 : memref<!tpu.dma_semaphore, #tpu.memory_space<semaphore_mem>>) src(%dma_wait3A_618 : memref<6400000xf32, #tpu.memory_space<hbm>>) dst(%dma_wait3A_614 : memref<128xf32, #tpu.memory_space<vmem>>)
    %dma_wait3A_619 = arith.constant 1 : i32
    %dma_wait3A_620 = arith.constant 0 : i32
    %dma_wait3A_621 = tpu.memref_slice %arg7[%dma_wait3A_619, %dma_wait3A_620] : memref<8x128xf32, #tpu.memory_space<vmem>> -> memref<1x128xf32, #tpu.memory_space<vmem>>
    %dma_wait3A_622 = tpu.memref_squeeze %dma_wait3A_621 : memref<1x128xf32, #tpu.memory_space<vmem>> -> memref<128xf32, #tpu.memory_space<vmem>>
    %dma_wait3A_623 = arith.constant 128 : i32
    %dma_wait3A_624 = tpu.memref_slice %arg6[%dma_wait3A_623] : memref<1024xi32, #tpu.memory_space<vmem>> -> memref<128xi32, #tpu.memory_space<vmem>>
    %dma_wait3A_625 = arith.constant 0 : i32
    %dma_wait3A_626 = tpu.memref_slice %arg2[%dma_wait3A_625] : memref<6400000xf32, #tpu.memory_space<hbm>> -> memref<6400000xf32, #tpu.memory_space<hbm>>
    tpu.wait_indirect_dma semaphore(%arg8 : memref<!tpu.dma_semaphore, #tpu.memory_space<semaphore_mem>>) src(%dma_wait3A_626 : memref<6400000xf32, #tpu.memory_space<hbm>>) dst(%dma_wait3A_622 : memref<128xf32, #tpu.memory_space<vmem>>)
    %dma_wait3A_627 = arith.constant 2 : i32
    %dma_wait3A_628 = arith.constant 0 : i32
    %dma_wait3A_629 = tpu.memref_slice %arg7[%dma_wait3A_627, %dma_wait3A_628] : memref<8x128xf32, #tpu.memory_space<vmem>> -> memref<1x128xf32, #tpu.memory_space<vmem>>
    %dma_wait3A_630 = tpu.memref_squeeze %dma_wait3A_629 : memref<1x128xf32, #tpu.memory_space<vmem>> -> memref<128xf32, #tpu.memory_space<vmem>>
    %dma_wait3A_631 = arith.constant 256 : i32
    %dma_wait3A_632 = tpu.memref_slice %arg6[%dma_wait3A_631] : memref<1024xi32, #tpu.memory_space<vmem>> -> memref<128xi32, #tpu.memory_space<vmem>>
    %dma_wait3A_633 = arith.constant 0 : i32
    %dma_wait3A_634 = tpu.memref_slice %arg2[%dma_wait3A_633] : memref<6400000xf32, #tpu.memory_space<hbm>> -> memref<6400000xf32, #tpu.memory_space<hbm>>
    tpu.wait_indirect_dma semaphore(%arg8 : memref<!tpu.dma_semaphore, #tpu.memory_space<semaphore_mem>>) src(%dma_wait3A_634 : memref<6400000xf32, #tpu.memory_space<hbm>>) dst(%dma_wait3A_630 : memref<128xf32, #tpu.memory_space<vmem>>)
    %dma_wait3A_635 = arith.constant 3 : i32
    %dma_wait3A_636 = arith.constant 0 : i32
    %dma_wait3A_637 = tpu.memref_slice %arg7[%dma_wait3A_635, %dma_wait3A_636] : memref<8x128xf32, #tpu.memory_space<vmem>> -> memref<1x128xf32, #tpu.memory_space<vmem>>
    %dma_wait3A_638 = tpu.memref_squeeze %dma_wait3A_637 : memref<1x128xf32, #tpu.memory_space<vmem>> -> memref<128xf32, #tpu.memory_space<vmem>>
    %dma_wait3A_639 = arith.constant 384 : i32
    %dma_wait3A_640 = tpu.memref_slice %arg6[%dma_wait3A_639] : memref<1024xi32, #tpu.memory_space<vmem>> -> memref<128xi32, #tpu.memory_space<vmem>>
    %dma_wait3A_641 = arith.constant 0 : i32
    %dma_wait3A_642 = tpu.memref_slice %arg2[%dma_wait3A_641] : memref<6400000xf32, #tpu.memory_space<hbm>> -> memref<6400000xf32, #tpu.memory_space<hbm>>
    tpu.wait_indirect_dma semaphore(%arg8 : memref<!tpu.dma_semaphore, #tpu.memory_space<semaphore_mem>>) src(%dma_wait3A_642 : memref<6400000xf32, #tpu.memory_space<hbm>>) dst(%dma_wait3A_638 : memref<128xf32, #tpu.memory_space<vmem>>)
    %dma_wait3A_643 = arith.constant 4 : i32
    %dma_wait3A_644 = arith.constant 0 : i32
    %dma_wait3A_645 = tpu.memref_slice %arg7[%dma_wait3A_643, %dma_wait3A_644] : memref<8x128xf32, #tpu.memory_space<vmem>> -> memref<1x128xf32, #tpu.memory_space<vmem>>
    %dma_wait3A_646 = tpu.memref_squeeze %dma_wait3A_645 : memref<1x128xf32, #tpu.memory_space<vmem>> -> memref<128xf32, #tpu.memory_space<vmem>>
    %dma_wait3A_647 = arith.constant 512 : i32
    %dma_wait3A_648 = tpu.memref_slice %arg6[%dma_wait3A_647] : memref<1024xi32, #tpu.memory_space<vmem>> -> memref<128xi32, #tpu.memory_space<vmem>>
    %dma_wait3A_649 = arith.constant 0 : i32
    %dma_wait3A_650 = tpu.memref_slice %arg2[%dma_wait3A_649] : memref<6400000xf32, #tpu.memory_space<hbm>> -> memref<6400000xf32, #tpu.memory_space<hbm>>
    tpu.wait_indirect_dma semaphore(%arg8 : memref<!tpu.dma_semaphore, #tpu.memory_space<semaphore_mem>>) src(%dma_wait3A_650 : memref<6400000xf32, #tpu.memory_space<hbm>>) dst(%dma_wait3A_646 : memref<128xf32, #tpu.memory_space<vmem>>)
    %dma_wait3A_651 = arith.constant 5 : i32
    %dma_wait3A_652 = arith.constant 0 : i32
    %dma_wait3A_653 = tpu.memref_slice %arg7[%dma_wait3A_651, %dma_wait3A_652] : memref<8x128xf32, #tpu.memory_space<vmem>> -> memref<1x128xf32, #tpu.memory_space<vmem>>
    %dma_wait3A_654 = tpu.memref_squeeze %dma_wait3A_653 : memref<1x128xf32, #tpu.memory_space<vmem>> -> memref<128xf32, #tpu.memory_space<vmem>>
    %dma_wait3A_655 = arith.constant 640 : i32
    %dma_wait3A_656 = tpu.memref_slice %arg6[%dma_wait3A_655] : memref<1024xi32, #tpu.memory_space<vmem>> -> memref<128xi32, #tpu.memory_space<vmem>>
    %dma_wait3A_657 = arith.constant 0 : i32
    %dma_wait3A_658 = tpu.memref_slice %arg2[%dma_wait3A_657] : memref<6400000xf32, #tpu.memory_space<hbm>> -> memref<6400000xf32, #tpu.memory_space<hbm>>
    tpu.wait_indirect_dma semaphore(%arg8 : memref<!tpu.dma_semaphore, #tpu.memory_space<semaphore_mem>>) src(%dma_wait3A_658 : memref<6400000xf32, #tpu.memory_space<hbm>>) dst(%dma_wait3A_654 : memref<128xf32, #tpu.memory_space<vmem>>)
    %dma_wait3A_659 = arith.constant 6 : i32
    %dma_wait3A_660 = arith.constant 0 : i32
    %dma_wait3A_661 = tpu.memref_slice %arg7[%dma_wait3A_659, %dma_wait3A_660] : memref<8x128xf32, #tpu.memory_space<vmem>> -> memref<1x128xf32, #tpu.memory_space<vmem>>
    %dma_wait3A_662 = tpu.memref_squeeze %dma_wait3A_661 : memref<1x128xf32, #tpu.memory_space<vmem>> -> memref<128xf32, #tpu.memory_space<vmem>>
    %dma_wait3A_663 = arith.constant 768 : i32
    %dma_wait3A_664 = tpu.memref_slice %arg6[%dma_wait3A_663] : memref<1024xi32, #tpu.memory_space<vmem>> -> memref<128xi32, #tpu.memory_space<vmem>>
    %dma_wait3A_665 = arith.constant 0 : i32
    %dma_wait3A_666 = tpu.memref_slice %arg2[%dma_wait3A_665] : memref<6400000xf32, #tpu.memory_space<hbm>> -> memref<6400000xf32, #tpu.memory_space<hbm>>
    tpu.wait_indirect_dma semaphore(%arg8 : memref<!tpu.dma_semaphore, #tpu.memory_space<semaphore_mem>>) src(%dma_wait3A_666 : memref<6400000xf32, #tpu.memory_space<hbm>>) dst(%dma_wait3A_662 : memref<128xf32, #tpu.memory_space<vmem>>)
    %dma_wait3A_667 = arith.constant 7 : i32
    %dma_wait3A_668 = arith.constant 0 : i32
    %dma_wait3A_669 = tpu.memref_slice %arg7[%dma_wait3A_667, %dma_wait3A_668] : memref<8x128xf32, #tpu.memory_space<vmem>> -> memref<1x128xf32, #tpu.memory_space<vmem>>
    %dma_wait3A_670 = tpu.memref_squeeze %dma_wait3A_669 : memref<1x128xf32, #tpu.memory_space<vmem>> -> memref<128xf32, #tpu.memory_space<vmem>>
    %dma_wait3A_671 = arith.constant 896 : i32
    %dma_wait3A_672 = tpu.memref_slice %arg6[%dma_wait3A_671] : memref<1024xi32, #tpu.memory_space<vmem>> -> memref<128xi32, #tpu.memory_space<vmem>>
    %dma_wait3A_673 = arith.constant 0 : i32
    %dma_wait3A_674 = tpu.memref_slice %arg2[%dma_wait3A_673] : memref<6400000xf32, #tpu.memory_space<hbm>> -> memref<6400000xf32, #tpu.memory_space<hbm>>
    tpu.wait_indirect_dma semaphore(%arg8 : memref<!tpu.dma_semaphore, #tpu.memory_space<semaphore_mem>>) src(%dma_wait3A_674 : memref<6400000xf32, #tpu.memory_space<hbm>>) dst(%dma_wait3A_670 : memref<128xf32, #tpu.memory_space<vmem>>)
    %mul3A_675 = arith.constant 8 : i32
    %mul3A_676 = arith.muli %add3A, %mul3A_675 : i32
    "tpu.region"() ({
      %run_scoped3A = tpu.sem_alloc : memref<!tpu.dma_semaphore, #tpu.memory_space<semaphore_mem>>
      %dma_start3A_677 = arith.constant 0 : i32
      %dma_start3A_678 = tpu.memref_slice %arg4[%mul3A_676, %dma_start3A_677] : memref<256x128xf32, #tpu.memory_space<hbm>> -> memref<8x128xf32, #tpu.memory_space<hbm>>
      %dma_start3A_679 = arith.constant 0 : i32
      %dma_start3A_680 = tpu.memref_slice %arg4[%mul3A_676, %dma_start3A_679] : memref<256x128xf32, #tpu.memory_space<hbm>> -> memref<8x128xf32, #tpu.memory_space<hbm>>
      tpu.enqueue_dma source(%arg7 : memref<8x128xf32, #tpu.memory_space<vmem>>) target(%dma_start3A_680 : memref<8x128xf32, #tpu.memory_space<hbm>>) target_semaphore(%run_scoped3A : memref<!tpu.dma_semaphore, #tpu.memory_space<semaphore_mem>>)
      %dma_wait3A_681 = arith.constant 0 : i32
      %dma_wait3A_682 = tpu.memref_slice %arg4[%mul3A_676, %dma_wait3A_681] : memref<256x128xf32, #tpu.memory_space<hbm>> -> memref<8x128xf32, #tpu.memory_space<hbm>>
      %dma_wait3A_683 = arith.constant 0 : i32
      %dma_wait3A_684 = tpu.memref_slice %arg4[%mul3A_676, %dma_wait3A_683] : memref<256x128xf32, #tpu.memory_space<hbm>> -> memref<8x128xf32, #tpu.memory_space<hbm>>
      tpu.wait_dma2 semaphore(%run_scoped3A : memref<!tpu.dma_semaphore, #tpu.memory_space<semaphore_mem>>) src(%arg7 : memref<8x128xf32, #tpu.memory_space<vmem>>) dst(%dma_wait3A_684 : memref<8x128xf32, #tpu.memory_space<hbm>>)
      tpu.yield
    }) : () -> ()
    return
  }
}

module attributes {stable_mosaic.version = 14 : i64} {
  func.func @_viterbi_body(%arg0: memref<512x64xf32, #tpu.memory_space<vmem>>, %arg1: memref<64x64xf32, #tpu.memory_space<vmem>>, %arg2: memref<256x2xi32, #tpu.memory_space<vmem>>, %arg3: memref<256x64xf32, #tpu.memory_space<vmem>>, %arg4: memref<256x64xf32, #tpu.memory_space<vmem>>) attributes {dimension_semantics = [], scalar_prefetch = 0 : i64, scratch_operands = 2 : i64, tpu.core_type = #tpu.core_type<tc>} {
    %get3A = arith.constant 0 : index
    %get3A_0 = arith.constant 0 : index
    %get3A_1 = vector.load %arg1[%get3A, %get3A_0] : memref<64x64xf32, #tpu.memory_space<vmem>>, vector<64x64xf32>
    %transpose3A = tpu.transpose %get3A_1, [1, 0] : vector<64x64xf32> -> vector<64x64xf32>
    %slice3A = vector.extract_strided_slice %transpose3A {offsets = [0, 0], sizes = [64, 1], strides = [1, 1]} : vector<64x64xf32> to vector<64x1xf32>
    %broadcast_in_dim3A = vector.shape_cast %slice3A : vector<64x1xf32> to vector<64x1xf32>
    %broadcast_in_dim3A_2 = vector.broadcast %broadcast_in_dim3A : vector<64x1xf32> to vector<64x64xf32>
    %get3A_3 = arith.constant 0 : index
    %get3A_4 = arith.constant 0 : index
    %get3A_5 = vector.load %arg0[%get3A_3, %get3A_4] : memref<512x64xf32, #tpu.memory_space<vmem>>, vector<16x64xf32>
    %slice3A_6 = vector.extract_strided_slice %get3A_5 {offsets = [0, 0], sizes = [1, 64], strides = [1, 1]} : vector<16x64xf32> to vector<1x64xf32>
    %slice3A_7 = vector.extract_strided_slice %get3A_1 {offsets = [0, 0], sizes = [1, 64], strides = [1, 1]} : vector<64x64xf32> to vector<1x64xf32>
    %mul3A = arith.mulf %slice3A_6, %slice3A_7 : vector<1x64xf32>
    %broadcast_in_dim3A_8 = arith.constant 1.000000e+00 : f32
    %broadcast_in_dim3A_9 = vector.broadcast %broadcast_in_dim3A_8 : f32 to vector<1x1xf32>
    %transpose3A_10 = tpu.transpose %get3A_5, [1, 0] : vector<16x64xf32> -> vector<64x16xf32>
    %slice3A_11 = vector.extract_strided_slice %transpose3A_10 {offsets = [0, 1], sizes = [64, 1], strides = [1, 1]} : vector<64x16xf32> to vector<64x1xf32>
    %broadcast_in_dim3A_12 = vector.shape_cast %slice3A_11 : vector<64x1xf32> to vector<64x1xf32>
    %broadcast_in_dim3A_13 = vector.broadcast %broadcast_in_dim3A_12 : vector<64x1xf32> to vector<64x64xf32>
    %broadcast_in_dim3A_14 = vector.shape_cast %mul3A : vector<1x64xf32> to vector<1x64xf32>
    %broadcast_in_dim3A_15 = vector.broadcast %broadcast_in_dim3A_14 : vector<1x64xf32> to vector<64x64xf32>
    %mul3A_16 = arith.mulf %broadcast_in_dim3A_15, %transpose3A : vector<64x64xf32>
    %reduce_max3A = arith.constant dense<0xFF800000> : vector<64xf32>
    %reduce_max3A_17 = vector.multi_reduction <maximumf>, %mul3A_16, %reduce_max3A [1] : vector<64x64xf32> to vector<64xf32>
    %broadcast_in_dim3A_18 = vector.shape_cast %reduce_max3A_17 : vector<64xf32> to vector<64x1xf32>
    %broadcast_in_dim3A_19 = vector.shape_cast %broadcast_in_dim3A_18 : vector<64x1xf32> to vector<64x1xf32>
    %broadcast_in_dim3A_20 = vector.broadcast %broadcast_in_dim3A_19 : vector<64x1xf32> to vector<64x64xf32>
    %eq3A = arith.constant 0.000000e+00 : f32
    %eq3A_21 = vector.broadcast %eq3A : f32 to vector<1x1xf32>
    %eq3A_22 = arith.cmpf oeq, %broadcast_in_dim3A_9, %eq3A_21 : vector<1x1xf32>
    %broadcast_in_dim3A_23 = vector.shape_cast %eq3A_22 : vector<1x1xi1> to vector<1x1xi1>
    %broadcast_in_dim3A_24 = vector.broadcast %broadcast_in_dim3A_23 : vector<1x1xi1> to vector<64x64xi1>
    %select_n3A = arith.select %broadcast_in_dim3A_24, %broadcast_in_dim3A_2, %broadcast_in_dim3A_20 : vector<64x64xi1>, vector<64x64xf32>
    %mul3A_25 = arith.mulf %select_n3A, %broadcast_in_dim3A_13 : vector<64x64xf32>
    %slice3A_26 = vector.extract_strided_slice %mul3A_25 {offsets = [0, 0], sizes = [64, 1], strides = [1, 1]} : vector<64x64xf32> to vector<64x1xf32>
    %reduce_max3A_27 = arith.constant dense<0xFF800000> : vector<1xf32>
    %reduce_max3A_28 = vector.multi_reduction <maximumf>, %slice3A_26, %reduce_max3A_27 [0] : vector<64x1xf32> to vector<1xf32>
    %broadcast_in_dim3A_29 = vector.shape_cast %reduce_max3A_28 : vector<1xf32> to vector<1x1xf32>
    %slice3A_30 = vector.extract_strided_slice %mul3A_25 {offsets = [0, 0], sizes = [64, 1], strides = [1, 1]} : vector<64x64xf32> to vector<64x1xf32>
    %slice3A_31 = vector.extract_strided_slice %get3A_5 {offsets = [2, 0], sizes = [1, 64], strides = [1, 1]} : vector<16x64xf32> to vector<1x64xf32>
    %mul3A_32 = arith.mulf %mul3A_25, %get3A_1 : vector<64x64xf32>
    %reduce_max3A_33 = arith.constant dense<0xFF800000> : vector<64xf32>
    %reduce_max3A_34 = vector.multi_reduction <maximumf>, %mul3A_32, %reduce_max3A_33 [0] : vector<64x64xf32> to vector<64xf32>
    %broadcast_in_dim3A_35 = vector.shape_cast %reduce_max3A_34 : vector<64xf32> to vector<1x64xf32>
    %eq3A_36 = arith.constant 0.000000e+00 : f32
    %eq3A_37 = vector.broadcast %eq3A_36 : f32 to vector<1x1xf32>
    %eq3A_38 = arith.cmpf oeq, %broadcast_in_dim3A_29, %eq3A_37 : vector<1x1xf32>
    %slice3A_39 = vector.extract_strided_slice %get3A_1 {offsets = [0, 0], sizes = [1, 64], strides = [1, 1]} : vector<64x64xf32> to vector<1x64xf32>
    %broadcast_in_dim3A_40 = vector.shape_cast %eq3A_38 : vector<1x1xi1> to vector<1x1xi1>
    %broadcast_in_dim3A_41 = vector.broadcast %broadcast_in_dim3A_40 : vector<1x1xi1> to vector<1x64xi1>
    %select_n3A_42 = arith.select %broadcast_in_dim3A_41, %slice3A_39, %broadcast_in_dim3A_35 : vector<1x64xi1>, vector<1x64xf32>
    %mul3A_43 = arith.mulf %select_n3A_42, %slice3A_31 : vector<1x64xf32>
    %reduce_max3A_44 = arith.constant dense<0xFF800000> : vector<1xf32>
    %reduce_max3A_45 = vector.multi_reduction <maximumf>, %mul3A_43, %reduce_max3A_44 [1] : vector<1x64xf32> to vector<1xf32>
    %broadcast_in_dim3A_46 = vector.shape_cast %reduce_max3A_45 : vector<1xf32> to vector<1x1xf32>
    %slice3A_47 = vector.extract_strided_slice %transpose3A_10 {offsets = [0, 3], sizes = [64, 1], strides = [1, 1]} : vector<64x16xf32> to vector<64x1xf32>
    %broadcast_in_dim3A_48 = vector.shape_cast %slice3A_47 : vector<64x1xf32> to vector<64x1xf32>
    %broadcast_in_dim3A_49 = vector.broadcast %broadcast_in_dim3A_48 : vector<64x1xf32> to vector<64x64xf32>
    %broadcast_in_dim3A_50 = vector.shape_cast %mul3A_43 : vector<1x64xf32> to vector<1x64xf32>
    %broadcast_in_dim3A_51 = vector.broadcast %broadcast_in_dim3A_50 : vector<1x64xf32> to vector<64x64xf32>
    %mul3A_52 = arith.mulf %broadcast_in_dim3A_51, %transpose3A : vector<64x64xf32>
    %reduce_max3A_53 = arith.constant dense<0xFF800000> : vector<64xf32>
    %reduce_max3A_54 = vector.multi_reduction <maximumf>, %mul3A_52, %reduce_max3A_53 [1] : vector<64x64xf32> to vector<64xf32>
    %broadcast_in_dim3A_55 = vector.shape_cast %reduce_max3A_54 : vector<64xf32> to vector<64x1xf32>
    %broadcast_in_dim3A_56 = vector.shape_cast %broadcast_in_dim3A_55 : vector<64x1xf32> to vector<64x1xf32>
    %broadcast_in_dim3A_57 = vector.broadcast %broadcast_in_dim3A_56 : vector<64x1xf32> to vector<64x64xf32>
    %eq3A_58 = arith.constant 0.000000e+00 : f32
    %eq3A_59 = vector.broadcast %eq3A_58 : f32 to vector<1x1xf32>
    %eq3A_60 = arith.cmpf oeq, %broadcast_in_dim3A_46, %eq3A_59 : vector<1x1xf32>
    %broadcast_in_dim3A_61 = vector.shape_cast %eq3A_60 : vector<1x1xi1> to vector<1x1xi1>
    %broadcast_in_dim3A_62 = vector.broadcast %broadcast_in_dim3A_61 : vector<1x1xi1> to vector<64x64xi1>
    %select_n3A_63 = arith.select %broadcast_in_dim3A_62, %broadcast_in_dim3A_2, %broadcast_in_dim3A_57 : vector<64x64xi1>, vector<64x64xf32>
    %mul3A_64 = arith.mulf %select_n3A_63, %broadcast_in_dim3A_49 : vector<64x64xf32>
    %slice3A_65 = vector.extract_strided_slice %mul3A_64 {offsets = [0, 0], sizes = [64, 1], strides = [1, 1]} : vector<64x64xf32> to vector<64x1xf32>
    %reduce_max3A_66 = arith.constant dense<0xFF800000> : vector<1xf32>
    %reduce_max3A_67 = vector.multi_reduction <maximumf>, %slice3A_65, %reduce_max3A_66 [0] : vector<64x1xf32> to vector<1xf32>
    %broadcast_in_dim3A_68 = vector.shape_cast %reduce_max3A_67 : vector<1xf32> to vector<1x1xf32>
    %slice3A_69 = vector.extract_strided_slice %mul3A_64 {offsets = [0, 0], sizes = [64, 1], strides = [1, 1]} : vector<64x64xf32> to vector<64x1xf32>
    %slice3A_70 = vector.extract_strided_slice %get3A_5 {offsets = [4, 0], sizes = [1, 64], strides = [1, 1]} : vector<16x64xf32> to vector<1x64xf32>
    %mul3A_71 = arith.mulf %mul3A_64, %get3A_1 : vector<64x64xf32>
    %reduce_max3A_72 = arith.constant dense<0xFF800000> : vector<64xf32>
    %reduce_max3A_73 = vector.multi_reduction <maximumf>, %mul3A_71, %reduce_max3A_72 [0] : vector<64x64xf32> to vector<64xf32>
    %broadcast_in_dim3A_74 = vector.shape_cast %reduce_max3A_73 : vector<64xf32> to vector<1x64xf32>
    %eq3A_75 = arith.constant 0.000000e+00 : f32
    %eq3A_76 = vector.broadcast %eq3A_75 : f32 to vector<1x1xf32>
    %eq3A_77 = arith.cmpf oeq, %broadcast_in_dim3A_68, %eq3A_76 : vector<1x1xf32>
    %slice3A_78 = vector.extract_strided_slice %get3A_1 {offsets = [0, 0], sizes = [1, 64], strides = [1, 1]} : vector<64x64xf32> to vector<1x64xf32>
    %broadcast_in_dim3A_79 = vector.shape_cast %eq3A_77 : vector<1x1xi1> to vector<1x1xi1>
    %broadcast_in_dim3A_80 = vector.broadcast %broadcast_in_dim3A_79 : vector<1x1xi1> to vector<1x64xi1>
    %select_n3A_81 = arith.select %broadcast_in_dim3A_80, %slice3A_78, %broadcast_in_dim3A_74 : vector<1x64xi1>, vector<1x64xf32>
    %mul3A_82 = arith.mulf %select_n3A_81, %slice3A_70 : vector<1x64xf32>
    %reduce_max3A_83 = arith.constant dense<0xFF800000> : vector<1xf32>
    %reduce_max3A_84 = vector.multi_reduction <maximumf>, %mul3A_82, %reduce_max3A_83 [1] : vector<1x64xf32> to vector<1xf32>
    %broadcast_in_dim3A_85 = vector.shape_cast %reduce_max3A_84 : vector<1xf32> to vector<1x1xf32>
    %slice3A_86 = vector.extract_strided_slice %transpose3A_10 {offsets = [0, 5], sizes = [64, 1], strides = [1, 1]} : vector<64x16xf32> to vector<64x1xf32>
    %broadcast_in_dim3A_87 = vector.shape_cast %slice3A_86 : vector<64x1xf32> to vector<64x1xf32>
    %broadcast_in_dim3A_88 = vector.broadcast %broadcast_in_dim3A_87 : vector<64x1xf32> to vector<64x64xf32>
    %broadcast_in_dim3A_89 = vector.shape_cast %mul3A_82 : vector<1x64xf32> to vector<1x64xf32>
    %broadcast_in_dim3A_90 = vector.broadcast %broadcast_in_dim3A_89 : vector<1x64xf32> to vector<64x64xf32>
    %mul3A_91 = arith.mulf %broadcast_in_dim3A_90, %transpose3A : vector<64x64xf32>
    %reduce_max3A_92 = arith.constant dense<0xFF800000> : vector<64xf32>
    %reduce_max3A_93 = vector.multi_reduction <maximumf>, %mul3A_91, %reduce_max3A_92 [1] : vector<64x64xf32> to vector<64xf32>
    %broadcast_in_dim3A_94 = vector.shape_cast %reduce_max3A_93 : vector<64xf32> to vector<64x1xf32>
    %broadcast_in_dim3A_95 = vector.shape_cast %broadcast_in_dim3A_94 : vector<64x1xf32> to vector<64x1xf32>
    %broadcast_in_dim3A_96 = vector.broadcast %broadcast_in_dim3A_95 : vector<64x1xf32> to vector<64x64xf32>
    %eq3A_97 = arith.constant 0.000000e+00 : f32
    %eq3A_98 = vector.broadcast %eq3A_97 : f32 to vector<1x1xf32>
    %eq3A_99 = arith.cmpf oeq, %broadcast_in_dim3A_85, %eq3A_98 : vector<1x1xf32>
    %broadcast_in_dim3A_100 = vector.shape_cast %eq3A_99 : vector<1x1xi1> to vector<1x1xi1>
    %broadcast_in_dim3A_101 = vector.broadcast %broadcast_in_dim3A_100 : vector<1x1xi1> to vector<64x64xi1>
    %select_n3A_102 = arith.select %broadcast_in_dim3A_101, %broadcast_in_dim3A_2, %broadcast_in_dim3A_96 : vector<64x64xi1>, vector<64x64xf32>
    %mul3A_103 = arith.mulf %select_n3A_102, %broadcast_in_dim3A_88 : vector<64x64xf32>
    %slice3A_104 = vector.extract_strided_slice %mul3A_103 {offsets = [0, 0], sizes = [64, 1], strides = [1, 1]} : vector<64x64xf32> to vector<64x1xf32>
    %reduce_max3A_105 = arith.constant dense<0xFF800000> : vector<1xf32>
    %reduce_max3A_106 = vector.multi_reduction <maximumf>, %slice3A_104, %reduce_max3A_105 [0] : vector<64x1xf32> to vector<1xf32>
    %broadcast_in_dim3A_107 = vector.shape_cast %reduce_max3A_106 : vector<1xf32> to vector<1x1xf32>
    %slice3A_108 = vector.extract_strided_slice %mul3A_103 {offsets = [0, 0], sizes = [64, 1], strides = [1, 1]} : vector<64x64xf32> to vector<64x1xf32>
    %slice3A_109 = vector.extract_strided_slice %get3A_5 {offsets = [6, 0], sizes = [1, 64], strides = [1, 1]} : vector<16x64xf32> to vector<1x64xf32>
    %mul3A_110 = arith.mulf %mul3A_103, %get3A_1 : vector<64x64xf32>
    %reduce_max3A_111 = arith.constant dense<0xFF800000> : vector<64xf32>
    %reduce_max3A_112 = vector.multi_reduction <maximumf>, %mul3A_110, %reduce_max3A_111 [0] : vector<64x64xf32> to vector<64xf32>
    %broadcast_in_dim3A_113 = vector.shape_cast %reduce_max3A_112 : vector<64xf32> to vector<1x64xf32>
    %eq3A_114 = arith.constant 0.000000e+00 : f32
    %eq3A_115 = vector.broadcast %eq3A_114 : f32 to vector<1x1xf32>
    %eq3A_116 = arith.cmpf oeq, %broadcast_in_dim3A_107, %eq3A_115 : vector<1x1xf32>
    %slice3A_117 = vector.extract_strided_slice %get3A_1 {offsets = [0, 0], sizes = [1, 64], strides = [1, 1]} : vector<64x64xf32> to vector<1x64xf32>
    %broadcast_in_dim3A_118 = vector.shape_cast %eq3A_116 : vector<1x1xi1> to vector<1x1xi1>
    %broadcast_in_dim3A_119 = vector.broadcast %broadcast_in_dim3A_118 : vector<1x1xi1> to vector<1x64xi1>
    %select_n3A_120 = arith.select %broadcast_in_dim3A_119, %slice3A_117, %broadcast_in_dim3A_113 : vector<1x64xi1>, vector<1x64xf32>
    %mul3A_121 = arith.mulf %select_n3A_120, %slice3A_109 : vector<1x64xf32>
    %reduce_max3A_122 = arith.constant dense<0xFF800000> : vector<1xf32>
    %reduce_max3A_123 = vector.multi_reduction <maximumf>, %mul3A_121, %reduce_max3A_122 [1] : vector<1x64xf32> to vector<1xf32>
    %broadcast_in_dim3A_124 = vector.shape_cast %reduce_max3A_123 : vector<1xf32> to vector<1x1xf32>
    %slice3A_125 = vector.extract_strided_slice %transpose3A_10 {offsets = [0, 7], sizes = [64, 1], strides = [1, 1]} : vector<64x16xf32> to vector<64x1xf32>
    %broadcast_in_dim3A_126 = vector.shape_cast %slice3A_125 : vector<64x1xf32> to vector<64x1xf32>
    %broadcast_in_dim3A_127 = vector.broadcast %broadcast_in_dim3A_126 : vector<64x1xf32> to vector<64x64xf32>
    %broadcast_in_dim3A_128 = vector.shape_cast %mul3A_121 : vector<1x64xf32> to vector<1x64xf32>
    %broadcast_in_dim3A_129 = vector.broadcast %broadcast_in_dim3A_128 : vector<1x64xf32> to vector<64x64xf32>
    %mul3A_130 = arith.mulf %broadcast_in_dim3A_129, %transpose3A : vector<64x64xf32>
    %reduce_max3A_131 = arith.constant dense<0xFF800000> : vector<64xf32>
    %reduce_max3A_132 = vector.multi_reduction <maximumf>, %mul3A_130, %reduce_max3A_131 [1] : vector<64x64xf32> to vector<64xf32>
    %broadcast_in_dim3A_133 = vector.shape_cast %reduce_max3A_132 : vector<64xf32> to vector<64x1xf32>
    %broadcast_in_dim3A_134 = vector.shape_cast %broadcast_in_dim3A_133 : vector<64x1xf32> to vector<64x1xf32>
    %broadcast_in_dim3A_135 = vector.broadcast %broadcast_in_dim3A_134 : vector<64x1xf32> to vector<64x64xf32>
    %eq3A_136 = arith.constant 0.000000e+00 : f32
    %eq3A_137 = vector.broadcast %eq3A_136 : f32 to vector<1x1xf32>
    %eq3A_138 = arith.cmpf oeq, %broadcast_in_dim3A_124, %eq3A_137 : vector<1x1xf32>
    %broadcast_in_dim3A_139 = vector.shape_cast %eq3A_138 : vector<1x1xi1> to vector<1x1xi1>
    %broadcast_in_dim3A_140 = vector.broadcast %broadcast_in_dim3A_139 : vector<1x1xi1> to vector<64x64xi1>
    %select_n3A_141 = arith.select %broadcast_in_dim3A_140, %broadcast_in_dim3A_2, %broadcast_in_dim3A_135 : vector<64x64xi1>, vector<64x64xf32>
    %mul3A_142 = arith.mulf %select_n3A_141, %broadcast_in_dim3A_127 : vector<64x64xf32>
    %slice3A_143 = vector.extract_strided_slice %mul3A_142 {offsets = [0, 0], sizes = [64, 1], strides = [1, 1]} : vector<64x64xf32> to vector<64x1xf32>
    %reduce_max3A_144 = arith.constant dense<0xFF800000> : vector<1xf32>
    %reduce_max3A_145 = vector.multi_reduction <maximumf>, %slice3A_143, %reduce_max3A_144 [0] : vector<64x1xf32> to vector<1xf32>
    %broadcast_in_dim3A_146 = vector.shape_cast %reduce_max3A_145 : vector<1xf32> to vector<1x1xf32>
    %slice3A_147 = vector.extract_strided_slice %mul3A_142 {offsets = [0, 0], sizes = [64, 1], strides = [1, 1]} : vector<64x64xf32> to vector<64x1xf32>
    %slice3A_148 = vector.extract_strided_slice %get3A_5 {offsets = [8, 0], sizes = [1, 64], strides = [1, 1]} : vector<16x64xf32> to vector<1x64xf32>
    %mul3A_149 = arith.mulf %mul3A_142, %get3A_1 : vector<64x64xf32>
    %reduce_max3A_150 = arith.constant dense<0xFF800000> : vector<64xf32>
    %reduce_max3A_151 = vector.multi_reduction <maximumf>, %mul3A_149, %reduce_max3A_150 [0] : vector<64x64xf32> to vector<64xf32>
    %broadcast_in_dim3A_152 = vector.shape_cast %reduce_max3A_151 : vector<64xf32> to vector<1x64xf32>
    %eq3A_153 = arith.constant 0.000000e+00 : f32
    %eq3A_154 = vector.broadcast %eq3A_153 : f32 to vector<1x1xf32>
    %eq3A_155 = arith.cmpf oeq, %broadcast_in_dim3A_146, %eq3A_154 : vector<1x1xf32>
    %slice3A_156 = vector.extract_strided_slice %get3A_1 {offsets = [0, 0], sizes = [1, 64], strides = [1, 1]} : vector<64x64xf32> to vector<1x64xf32>
    %broadcast_in_dim3A_157 = vector.shape_cast %eq3A_155 : vector<1x1xi1> to vector<1x1xi1>
    %broadcast_in_dim3A_158 = vector.broadcast %broadcast_in_dim3A_157 : vector<1x1xi1> to vector<1x64xi1>
    %select_n3A_159 = arith.select %broadcast_in_dim3A_158, %slice3A_156, %broadcast_in_dim3A_152 : vector<1x64xi1>, vector<1x64xf32>
    %mul3A_160 = arith.mulf %select_n3A_159, %slice3A_148 : vector<1x64xf32>
    %reduce_max3A_161 = arith.constant dense<0xFF800000> : vector<1xf32>
    %reduce_max3A_162 = vector.multi_reduction <maximumf>, %mul3A_160, %reduce_max3A_161 [1] : vector<1x64xf32> to vector<1xf32>
    %broadcast_in_dim3A_163 = vector.shape_cast %reduce_max3A_162 : vector<1xf32> to vector<1x1xf32>
    %slice3A_164 = vector.extract_strided_slice %transpose3A_10 {offsets = [0, 9], sizes = [64, 1], strides = [1, 1]} : vector<64x16xf32> to vector<64x1xf32>
    %broadcast_in_dim3A_165 = vector.shape_cast %slice3A_164 : vector<64x1xf32> to vector<64x1xf32>
    %broadcast_in_dim3A_166 = vector.broadcast %broadcast_in_dim3A_165 : vector<64x1xf32> to vector<64x64xf32>
    %broadcast_in_dim3A_167 = vector.shape_cast %mul3A_160 : vector<1x64xf32> to vector<1x64xf32>
    %broadcast_in_dim3A_168 = vector.broadcast %broadcast_in_dim3A_167 : vector<1x64xf32> to vector<64x64xf32>
    %mul3A_169 = arith.mulf %broadcast_in_dim3A_168, %transpose3A : vector<64x64xf32>
    %reduce_max3A_170 = arith.constant dense<0xFF800000> : vector<64xf32>
    %reduce_max3A_171 = vector.multi_reduction <maximumf>, %mul3A_169, %reduce_max3A_170 [1] : vector<64x64xf32> to vector<64xf32>
    %broadcast_in_dim3A_172 = vector.shape_cast %reduce_max3A_171 : vector<64xf32> to vector<64x1xf32>
    %broadcast_in_dim3A_173 = vector.shape_cast %broadcast_in_dim3A_172 : vector<64x1xf32> to vector<64x1xf32>
    %broadcast_in_dim3A_174 = vector.broadcast %broadcast_in_dim3A_173 : vector<64x1xf32> to vector<64x64xf32>
    %eq3A_175 = arith.constant 0.000000e+00 : f32
    %eq3A_176 = vector.broadcast %eq3A_175 : f32 to vector<1x1xf32>
    %eq3A_177 = arith.cmpf oeq, %broadcast_in_dim3A_163, %eq3A_176 : vector<1x1xf32>
    %broadcast_in_dim3A_178 = vector.shape_cast %eq3A_177 : vector<1x1xi1> to vector<1x1xi1>
    %broadcast_in_dim3A_179 = vector.broadcast %broadcast_in_dim3A_178 : vector<1x1xi1> to vector<64x64xi1>
    %select_n3A_180 = arith.select %broadcast_in_dim3A_179, %broadcast_in_dim3A_2, %broadcast_in_dim3A_174 : vector<64x64xi1>, vector<64x64xf32>
    %mul3A_181 = arith.mulf %select_n3A_180, %broadcast_in_dim3A_166 : vector<64x64xf32>
    %slice3A_182 = vector.extract_strided_slice %mul3A_181 {offsets = [0, 0], sizes = [64, 1], strides = [1, 1]} : vector<64x64xf32> to vector<64x1xf32>
    %reduce_max3A_183 = arith.constant dense<0xFF800000> : vector<1xf32>
    %reduce_max3A_184 = vector.multi_reduction <maximumf>, %slice3A_182, %reduce_max3A_183 [0] : vector<64x1xf32> to vector<1xf32>
    %broadcast_in_dim3A_185 = vector.shape_cast %reduce_max3A_184 : vector<1xf32> to vector<1x1xf32>
    %slice3A_186 = vector.extract_strided_slice %mul3A_181 {offsets = [0, 0], sizes = [64, 1], strides = [1, 1]} : vector<64x64xf32> to vector<64x1xf32>
    %slice3A_187 = vector.extract_strided_slice %get3A_5 {offsets = [10, 0], sizes = [1, 64], strides = [1, 1]} : vector<16x64xf32> to vector<1x64xf32>
    %mul3A_188 = arith.mulf %mul3A_181, %get3A_1 : vector<64x64xf32>
    %reduce_max3A_189 = arith.constant dense<0xFF800000> : vector<64xf32>
    %reduce_max3A_190 = vector.multi_reduction <maximumf>, %mul3A_188, %reduce_max3A_189 [0] : vector<64x64xf32> to vector<64xf32>
    %broadcast_in_dim3A_191 = vector.shape_cast %reduce_max3A_190 : vector<64xf32> to vector<1x64xf32>
    %eq3A_192 = arith.constant 0.000000e+00 : f32
    %eq3A_193 = vector.broadcast %eq3A_192 : f32 to vector<1x1xf32>
    %eq3A_194 = arith.cmpf oeq, %broadcast_in_dim3A_185, %eq3A_193 : vector<1x1xf32>
    %slice3A_195 = vector.extract_strided_slice %get3A_1 {offsets = [0, 0], sizes = [1, 64], strides = [1, 1]} : vector<64x64xf32> to vector<1x64xf32>
    %broadcast_in_dim3A_196 = vector.shape_cast %eq3A_194 : vector<1x1xi1> to vector<1x1xi1>
    %broadcast_in_dim3A_197 = vector.broadcast %broadcast_in_dim3A_196 : vector<1x1xi1> to vector<1x64xi1>
    %select_n3A_198 = arith.select %broadcast_in_dim3A_197, %slice3A_195, %broadcast_in_dim3A_191 : vector<1x64xi1>, vector<1x64xf32>
    %mul3A_199 = arith.mulf %select_n3A_198, %slice3A_187 : vector<1x64xf32>
    %reduce_max3A_200 = arith.constant dense<0xFF800000> : vector<1xf32>
    %reduce_max3A_201 = vector.multi_reduction <maximumf>, %mul3A_199, %reduce_max3A_200 [1] : vector<1x64xf32> to vector<1xf32>
    %broadcast_in_dim3A_202 = vector.shape_cast %reduce_max3A_201 : vector<1xf32> to vector<1x1xf32>
    %slice3A_203 = vector.extract_strided_slice %transpose3A_10 {offsets = [0, 11], sizes = [64, 1], strides = [1, 1]} : vector<64x16xf32> to vector<64x1xf32>
    %broadcast_in_dim3A_204 = vector.shape_cast %slice3A_203 : vector<64x1xf32> to vector<64x1xf32>
    %broadcast_in_dim3A_205 = vector.broadcast %broadcast_in_dim3A_204 : vector<64x1xf32> to vector<64x64xf32>
    %broadcast_in_dim3A_206 = vector.shape_cast %mul3A_199 : vector<1x64xf32> to vector<1x64xf32>
    %broadcast_in_dim3A_207 = vector.broadcast %broadcast_in_dim3A_206 : vector<1x64xf32> to vector<64x64xf32>
    %mul3A_208 = arith.mulf %broadcast_in_dim3A_207, %transpose3A : vector<64x64xf32>
    %reduce_max3A_209 = arith.constant dense<0xFF800000> : vector<64xf32>
    %reduce_max3A_210 = vector.multi_reduction <maximumf>, %mul3A_208, %reduce_max3A_209 [1] : vector<64x64xf32> to vector<64xf32>
    %broadcast_in_dim3A_211 = vector.shape_cast %reduce_max3A_210 : vector<64xf32> to vector<64x1xf32>
    %broadcast_in_dim3A_212 = vector.shape_cast %broadcast_in_dim3A_211 : vector<64x1xf32> to vector<64x1xf32>
    %broadcast_in_dim3A_213 = vector.broadcast %broadcast_in_dim3A_212 : vector<64x1xf32> to vector<64x64xf32>
    %eq3A_214 = arith.constant 0.000000e+00 : f32
    %eq3A_215 = vector.broadcast %eq3A_214 : f32 to vector<1x1xf32>
    %eq3A_216 = arith.cmpf oeq, %broadcast_in_dim3A_202, %eq3A_215 : vector<1x1xf32>
    %broadcast_in_dim3A_217 = vector.shape_cast %eq3A_216 : vector<1x1xi1> to vector<1x1xi1>
    %broadcast_in_dim3A_218 = vector.broadcast %broadcast_in_dim3A_217 : vector<1x1xi1> to vector<64x64xi1>
    %select_n3A_219 = arith.select %broadcast_in_dim3A_218, %broadcast_in_dim3A_2, %broadcast_in_dim3A_213 : vector<64x64xi1>, vector<64x64xf32>
    %mul3A_220 = arith.mulf %select_n3A_219, %broadcast_in_dim3A_205 : vector<64x64xf32>
    %slice3A_221 = vector.extract_strided_slice %mul3A_220 {offsets = [0, 0], sizes = [64, 1], strides = [1, 1]} : vector<64x64xf32> to vector<64x1xf32>
    %reduce_max3A_222 = arith.constant dense<0xFF800000> : vector<1xf32>
    %reduce_max3A_223 = vector.multi_reduction <maximumf>, %slice3A_221, %reduce_max3A_222 [0] : vector<64x1xf32> to vector<1xf32>
    %broadcast_in_dim3A_224 = vector.shape_cast %reduce_max3A_223 : vector<1xf32> to vector<1x1xf32>
    %slice3A_225 = vector.extract_strided_slice %mul3A_220 {offsets = [0, 0], sizes = [64, 1], strides = [1, 1]} : vector<64x64xf32> to vector<64x1xf32>
    %slice3A_226 = vector.extract_strided_slice %get3A_5 {offsets = [12, 0], sizes = [1, 64], strides = [1, 1]} : vector<16x64xf32> to vector<1x64xf32>
    %mul3A_227 = arith.mulf %mul3A_220, %get3A_1 : vector<64x64xf32>
    %reduce_max3A_228 = arith.constant dense<0xFF800000> : vector<64xf32>
    %reduce_max3A_229 = vector.multi_reduction <maximumf>, %mul3A_227, %reduce_max3A_228 [0] : vector<64x64xf32> to vector<64xf32>
    %broadcast_in_dim3A_230 = vector.shape_cast %reduce_max3A_229 : vector<64xf32> to vector<1x64xf32>
    %eq3A_231 = arith.constant 0.000000e+00 : f32
    %eq3A_232 = vector.broadcast %eq3A_231 : f32 to vector<1x1xf32>
    %eq3A_233 = arith.cmpf oeq, %broadcast_in_dim3A_224, %eq3A_232 : vector<1x1xf32>
    %slice3A_234 = vector.extract_strided_slice %get3A_1 {offsets = [0, 0], sizes = [1, 64], strides = [1, 1]} : vector<64x64xf32> to vector<1x64xf32>
    %broadcast_in_dim3A_235 = vector.shape_cast %eq3A_233 : vector<1x1xi1> to vector<1x1xi1>
    %broadcast_in_dim3A_236 = vector.broadcast %broadcast_in_dim3A_235 : vector<1x1xi1> to vector<1x64xi1>
    %select_n3A_237 = arith.select %broadcast_in_dim3A_236, %slice3A_234, %broadcast_in_dim3A_230 : vector<1x64xi1>, vector<1x64xf32>
    %mul3A_238 = arith.mulf %select_n3A_237, %slice3A_226 : vector<1x64xf32>
    %reduce_max3A_239 = arith.constant dense<0xFF800000> : vector<1xf32>
    %reduce_max3A_240 = vector.multi_reduction <maximumf>, %mul3A_238, %reduce_max3A_239 [1] : vector<1x64xf32> to vector<1xf32>
    %broadcast_in_dim3A_241 = vector.shape_cast %reduce_max3A_240 : vector<1xf32> to vector<1x1xf32>
    %slice3A_242 = vector.extract_strided_slice %transpose3A_10 {offsets = [0, 13], sizes = [64, 1], strides = [1, 1]} : vector<64x16xf32> to vector<64x1xf32>
    %broadcast_in_dim3A_243 = vector.shape_cast %slice3A_242 : vector<64x1xf32> to vector<64x1xf32>
    %broadcast_in_dim3A_244 = vector.broadcast %broadcast_in_dim3A_243 : vector<64x1xf32> to vector<64x64xf32>
    %broadcast_in_dim3A_245 = vector.shape_cast %mul3A_238 : vector<1x64xf32> to vector<1x64xf32>
    %broadcast_in_dim3A_246 = vector.broadcast %broadcast_in_dim3A_245 : vector<1x64xf32> to vector<64x64xf32>
    %mul3A_247 = arith.mulf %broadcast_in_dim3A_246, %transpose3A : vector<64x64xf32>
    %reduce_max3A_248 = arith.constant dense<0xFF800000> : vector<64xf32>
    %reduce_max3A_249 = vector.multi_reduction <maximumf>, %mul3A_247, %reduce_max3A_248 [1] : vector<64x64xf32> to vector<64xf32>
    %broadcast_in_dim3A_250 = vector.shape_cast %reduce_max3A_249 : vector<64xf32> to vector<64x1xf32>
    %broadcast_in_dim3A_251 = vector.shape_cast %broadcast_in_dim3A_250 : vector<64x1xf32> to vector<64x1xf32>
    %broadcast_in_dim3A_252 = vector.broadcast %broadcast_in_dim3A_251 : vector<64x1xf32> to vector<64x64xf32>
    %eq3A_253 = arith.constant 0.000000e+00 : f32
    %eq3A_254 = vector.broadcast %eq3A_253 : f32 to vector<1x1xf32>
    %eq3A_255 = arith.cmpf oeq, %broadcast_in_dim3A_241, %eq3A_254 : vector<1x1xf32>
    %broadcast_in_dim3A_256 = vector.shape_cast %eq3A_255 : vector<1x1xi1> to vector<1x1xi1>
    %broadcast_in_dim3A_257 = vector.broadcast %broadcast_in_dim3A_256 : vector<1x1xi1> to vector<64x64xi1>
    %select_n3A_258 = arith.select %broadcast_in_dim3A_257, %broadcast_in_dim3A_2, %broadcast_in_dim3A_252 : vector<64x64xi1>, vector<64x64xf32>
    %mul3A_259 = arith.mulf %select_n3A_258, %broadcast_in_dim3A_244 : vector<64x64xf32>
    %slice3A_260 = vector.extract_strided_slice %mul3A_259 {offsets = [0, 0], sizes = [64, 1], strides = [1, 1]} : vector<64x64xf32> to vector<64x1xf32>
    %reduce_max3A_261 = arith.constant dense<0xFF800000> : vector<1xf32>
    %reduce_max3A_262 = vector.multi_reduction <maximumf>, %slice3A_260, %reduce_max3A_261 [0] : vector<64x1xf32> to vector<1xf32>
    %broadcast_in_dim3A_263 = vector.shape_cast %reduce_max3A_262 : vector<1xf32> to vector<1x1xf32>
    %slice3A_264 = vector.extract_strided_slice %mul3A_259 {offsets = [0, 0], sizes = [64, 1], strides = [1, 1]} : vector<64x64xf32> to vector<64x1xf32>
    %slice3A_265 = vector.extract_strided_slice %get3A_5 {offsets = [14, 0], sizes = [1, 64], strides = [1, 1]} : vector<16x64xf32> to vector<1x64xf32>
    %mul3A_266 = arith.mulf %mul3A_259, %get3A_1 : vector<64x64xf32>
    %reduce_max3A_267 = arith.constant dense<0xFF800000> : vector<64xf32>
    %reduce_max3A_268 = vector.multi_reduction <maximumf>, %mul3A_266, %reduce_max3A_267 [0] : vector<64x64xf32> to vector<64xf32>
    %broadcast_in_dim3A_269 = vector.shape_cast %reduce_max3A_268 : vector<64xf32> to vector<1x64xf32>
    %eq3A_270 = arith.constant 0.000000e+00 : f32
    %eq3A_271 = vector.broadcast %eq3A_270 : f32 to vector<1x1xf32>
    %eq3A_272 = arith.cmpf oeq, %broadcast_in_dim3A_263, %eq3A_271 : vector<1x1xf32>
    %slice3A_273 = vector.extract_strided_slice %get3A_1 {offsets = [0, 0], sizes = [1, 64], strides = [1, 1]} : vector<64x64xf32> to vector<1x64xf32>
    %broadcast_in_dim3A_274 = vector.shape_cast %eq3A_272 : vector<1x1xi1> to vector<1x1xi1>
    %broadcast_in_dim3A_275 = vector.broadcast %broadcast_in_dim3A_274 : vector<1x1xi1> to vector<1x64xi1>
    %select_n3A_276 = arith.select %broadcast_in_dim3A_275, %slice3A_273, %broadcast_in_dim3A_269 : vector<1x64xi1>, vector<1x64xf32>
    %mul3A_277 = arith.mulf %select_n3A_276, %slice3A_265 : vector<1x64xf32>
    %reduce_max3A_278 = arith.constant dense<0xFF800000> : vector<1xf32>
    %reduce_max3A_279 = vector.multi_reduction <maximumf>, %mul3A_277, %reduce_max3A_278 [1] : vector<1x64xf32> to vector<1xf32>
    %broadcast_in_dim3A_280 = vector.shape_cast %reduce_max3A_279 : vector<1xf32> to vector<1x1xf32>
    %slice3A_281 = vector.extract_strided_slice %transpose3A_10 {offsets = [0, 15], sizes = [64, 1], strides = [1, 1]} : vector<64x16xf32> to vector<64x1xf32>
    %broadcast_in_dim3A_282 = vector.shape_cast %slice3A_281 : vector<64x1xf32> to vector<64x1xf32>
    %broadcast_in_dim3A_283 = vector.broadcast %broadcast_in_dim3A_282 : vector<64x1xf32> to vector<64x64xf32>
    %broadcast_in_dim3A_284 = vector.shape_cast %mul3A_277 : vector<1x64xf32> to vector<1x64xf32>
    %broadcast_in_dim3A_285 = vector.broadcast %broadcast_in_dim3A_284 : vector<1x64xf32> to vector<64x64xf32>
    %mul3A_286 = arith.mulf %broadcast_in_dim3A_285, %transpose3A : vector<64x64xf32>
    %reduce_max3A_287 = arith.constant dense<0xFF800000> : vector<64xf32>
    %reduce_max3A_288 = vector.multi_reduction <maximumf>, %mul3A_286, %reduce_max3A_287 [1] : vector<64x64xf32> to vector<64xf32>
    %broadcast_in_dim3A_289 = vector.shape_cast %reduce_max3A_288 : vector<64xf32> to vector<64x1xf32>
    %broadcast_in_dim3A_290 = vector.shape_cast %broadcast_in_dim3A_289 : vector<64x1xf32> to vector<64x1xf32>
    %broadcast_in_dim3A_291 = vector.broadcast %broadcast_in_dim3A_290 : vector<64x1xf32> to vector<64x64xf32>
    %eq3A_292 = arith.constant 0.000000e+00 : f32
    %eq3A_293 = vector.broadcast %eq3A_292 : f32 to vector<1x1xf32>
    %eq3A_294 = arith.cmpf oeq, %broadcast_in_dim3A_280, %eq3A_293 : vector<1x1xf32>
    %broadcast_in_dim3A_295 = vector.shape_cast %eq3A_294 : vector<1x1xi1> to vector<1x1xi1>
    %broadcast_in_dim3A_296 = vector.broadcast %broadcast_in_dim3A_295 : vector<1x1xi1> to vector<64x64xi1>
    %select_n3A_297 = arith.select %broadcast_in_dim3A_296, %broadcast_in_dim3A_2, %broadcast_in_dim3A_291 : vector<64x64xi1>, vector<64x64xf32>
    %mul3A_298 = arith.mulf %select_n3A_297, %broadcast_in_dim3A_283 : vector<64x64xf32>
    %slice3A_299 = vector.extract_strided_slice %mul3A_298 {offsets = [0, 0], sizes = [64, 1], strides = [1, 1]} : vector<64x64xf32> to vector<64x1xf32>
    %reduce_max3A_300 = arith.constant dense<0xFF800000> : vector<1xf32>
    %reduce_max3A_301 = vector.multi_reduction <maximumf>, %slice3A_299, %reduce_max3A_300 [0] : vector<64x1xf32> to vector<1xf32>
    %broadcast_in_dim3A_302 = vector.shape_cast %reduce_max3A_301 : vector<1xf32> to vector<1x1xf32>
    %slice3A_303 = vector.extract_strided_slice %mul3A_298 {offsets = [0, 0], sizes = [64, 1], strides = [1, 1]} : vector<64x64xf32> to vector<64x1xf32>
    %concatenate3A = tpu.concatenate %mul3A, %mul3A_43, %mul3A_82, %mul3A_121, %mul3A_160, %mul3A_199, %mul3A_238, %mul3A_277 in 0 : vector<1x64xf32>, vector<1x64xf32>, vector<1x64xf32>, vector<1x64xf32>, vector<1x64xf32>, vector<1x64xf32>, vector<1x64xf32>, vector<1x64xf32> -> vector<8x64xf32>
    %concatenate3A_304 = tpu.concatenate %slice3A_30, %slice3A_69, %slice3A_108, %slice3A_147, %slice3A_186, %slice3A_225, %slice3A_264, %slice3A_303 in 1 : vector<64x1xf32>, vector<64x1xf32>, vector<64x1xf32>, vector<64x1xf32>, vector<64x1xf32>, vector<64x1xf32>, vector<64x1xf32>, vector<64x1xf32> -> vector<64x8xf32>
    %transpose3A_305 = tpu.transpose %concatenate3A_304, [1, 0] : vector<64x8xf32> -> vector<8x64xf32>
    %swap3A = arith.constant 0 : index
    %swap3A_306 = arith.constant 0 : index
    %swap3A_307 = vector.load %arg3[%swap3A, %swap3A_306] : memref<256x64xf32, #tpu.memory_space<vmem>>, vector<8x64xf32>
    tpu.vector_store %arg3[%swap3A, %swap3A_306], %concatenate3A {strides = array<i32>} : memref<256x64xf32, #tpu.memory_space<vmem>>, vector<8x64xf32>,
    %swap3A_308 = arith.constant 0 : index
    %swap3A_309 = arith.constant 0 : index
    %swap3A_310 = vector.load %arg4[%swap3A_308, %swap3A_309] : memref<256x64xf32, #tpu.memory_space<vmem>>, vector<8x64xf32>
    tpu.vector_store %arg4[%swap3A_308, %swap3A_309], %transpose3A_305 {strides = array<i32>} : memref<256x64xf32, #tpu.memory_space<vmem>>, vector<8x64xf32>,
    %scan3A = arith.constant 1 : i32
    %scan3A_311 = arith.constant 31 : i32
    %scan3A_312 = arith.addi %scan3A, %scan3A_311 : i32
    %scan3A_313 = arith.constant 1 : i32
    %scan3A_314:2 = scf.for %scan3A_347 = %scan3A to %scan3A_312 step %scan3A_313 iter_args(%scan3A_348 = %mul3A_298, %scan3A_349 = %broadcast_in_dim3A_302) -> (vector<64x64xf32>, vector<1x1xf32>)  : i32 {
      %mul3A_350 = arith.constant 16 : i32
      %mul3A_351 = arith.muli %scan3A_347, %mul3A_350 : i32
      %get3A_352 = arith.index_cast %mul3A_351 : i32 to index
      %get3A_353 = arith.constant 0 : index
      %get3A_354 = vector.load %arg0[%get3A_352, %get3A_353] : memref<512x64xf32, #tpu.memory_space<vmem>>, vector<16x64xf32>
      %transpose3A_355 = tpu.transpose %get3A_354, [1, 0] : vector<16x64xf32> -> vector<64x16xf32>
      %slice3A_356 = vector.extract_strided_slice %get3A_354 {offsets = [0, 0], sizes = [1, 64], strides = [1, 1]} : vector<16x64xf32> to vector<1x64xf32>
      %mul3A_357 = arith.mulf %scan3A_348, %get3A_1 : vector<64x64xf32>
      %reduce_max3A_358 = arith.constant dense<0xFF800000> : vector<64xf32>
      %reduce_max3A_359 = vector.multi_reduction <maximumf>, %mul3A_357, %reduce_max3A_358 [0] : vector<64x64xf32> to vector<64xf32>
      %broadcast_in_dim3A_360 = vector.shape_cast %reduce_max3A_359 : vector<64xf32> to vector<1x64xf32>
      %eq3A_361 = arith.constant 0.000000e+00 : f32
      %eq3A_362 = vector.broadcast %eq3A_361 : f32 to vector<1x1xf32>
      %eq3A_363 = arith.cmpf oeq, %scan3A_349, %eq3A_362 : vector<1x1xf32>
      %slice3A_364 = vector.extract_strided_slice %get3A_1 {offsets = [0, 0], sizes = [1, 64], strides = [1, 1]} : vector<64x64xf32> to vector<1x64xf32>
      %broadcast_in_dim3A_365 = vector.shape_cast %eq3A_363 : vector<1x1xi1> to vector<1x1xi1>
      %broadcast_in_dim3A_366 = vector.broadcast %broadcast_in_dim3A_365 : vector<1x1xi1> to vector<1x64xi1>
      %select_n3A_367 = arith.select %broadcast_in_dim3A_366, %slice3A_364, %broadcast_in_dim3A_360 : vector<1x64xi1>, vector<1x64xf32>
      %mul3A_368 = arith.mulf %select_n3A_367, %slice3A_356 : vector<1x64xf32>
      %reduce_max3A_369 = arith.constant dense<0xFF800000> : vector<1xf32>
      %reduce_max3A_370 = vector.multi_reduction <maximumf>, %mul3A_368, %reduce_max3A_369 [1] : vector<1x64xf32> to vector<1xf32>
      %broadcast_in_dim3A_371 = vector.shape_cast %reduce_max3A_370 : vector<1xf32> to vector<1x1xf32>
      %slice3A_372 = vector.extract_strided_slice %transpose3A_355 {offsets = [0, 1], sizes = [64, 1], strides = [1, 1]} : vector<64x16xf32> to vector<64x1xf32>
      %broadcast_in_dim3A_373 = vector.shape_cast %slice3A_372 : vector<64x1xf32> to vector<64x1xf32>
      %broadcast_in_dim3A_374 = vector.broadcast %broadcast_in_dim3A_373 : vector<64x1xf32> to vector<64x64xf32>
      %broadcast_in_dim3A_375 = vector.shape_cast %mul3A_368 : vector<1x64xf32> to vector<1x64xf32>
      %broadcast_in_dim3A_376 = vector.broadcast %broadcast_in_dim3A_375 : vector<1x64xf32> to vector<64x64xf32>
      %mul3A_377 = arith.mulf %broadcast_in_dim3A_376, %transpose3A : vector<64x64xf32>
      %reduce_max3A_378 = arith.constant dense<0xFF800000> : vector<64xf32>
      %reduce_max3A_379 = vector.multi_reduction <maximumf>, %mul3A_377, %reduce_max3A_378 [1] : vector<64x64xf32> to vector<64xf32>
      %broadcast_in_dim3A_380 = vector.shape_cast %reduce_max3A_379 : vector<64xf32> to vector<64x1xf32>
      %broadcast_in_dim3A_381 = vector.shape_cast %broadcast_in_dim3A_380 : vector<64x1xf32> to vector<64x1xf32>
      %broadcast_in_dim3A_382 = vector.broadcast %broadcast_in_dim3A_381 : vector<64x1xf32> to vector<64x64xf32>
      %eq3A_383 = arith.constant 0.000000e+00 : f32
      %eq3A_384 = vector.broadcast %eq3A_383 : f32 to vector<1x1xf32>
      %eq3A_385 = arith.cmpf oeq, %broadcast_in_dim3A_371, %eq3A_384 : vector<1x1xf32>
      %broadcast_in_dim3A_386 = vector.shape_cast %eq3A_385 : vector<1x1xi1> to vector<1x1xi1>
      %broadcast_in_dim3A_387 = vector.broadcast %broadcast_in_dim3A_386 : vector<1x1xi1> to vector<64x64xi1>
      %select_n3A_388 = arith.select %broadcast_in_dim3A_387, %broadcast_in_dim3A_2, %broadcast_in_dim3A_382 : vector<64x64xi1>, vector<64x64xf32>
      %mul3A_389 = arith.mulf %select_n3A_388, %broadcast_in_dim3A_374 : vector<64x64xf32>
      %slice3A_390 = vector.extract_strided_slice %mul3A_389 {offsets = [0, 0], sizes = [64, 1], strides = [1, 1]} : vector<64x64xf32> to vector<64x1xf32>
      %reduce_max3A_391 = arith.constant dense<0xFF800000> : vector<1xf32>
      %reduce_max3A_392 = vector.multi_reduction <maximumf>, %slice3A_390, %reduce_max3A_391 [0] : vector<64x1xf32> to vector<1xf32>
      %broadcast_in_dim3A_393 = vector.shape_cast %reduce_max3A_392 : vector<1xf32> to vector<1x1xf32>
      %slice3A_394 = vector.extract_strided_slice %mul3A_389 {offsets = [0, 0], sizes = [64, 1], strides = [1, 1]} : vector<64x64xf32> to vector<64x1xf32>
      %slice3A_395 = vector.extract_strided_slice %get3A_354 {offsets = [2, 0], sizes = [1, 64], strides = [1, 1]} : vector<16x64xf32> to vector<1x64xf32>
      %mul3A_396 = arith.mulf %mul3A_389, %get3A_1 : vector<64x64xf32>
      %reduce_max3A_397 = arith.constant dense<0xFF800000> : vector<64xf32>
      %reduce_max3A_398 = vector.multi_reduction <maximumf>, %mul3A_396, %reduce_max3A_397 [0] : vector<64x64xf32> to vector<64xf32>
      %broadcast_in_dim3A_399 = vector.shape_cast %reduce_max3A_398 : vector<64xf32> to vector<1x64xf32>
      %eq3A_400 = arith.constant 0.000000e+00 : f32
      %eq3A_401 = vector.broadcast %eq3A_400 : f32 to vector<1x1xf32>
      %eq3A_402 = arith.cmpf oeq, %broadcast_in_dim3A_393, %eq3A_401 : vector<1x1xf32>
      %slice3A_403 = vector.extract_strided_slice %get3A_1 {offsets = [0, 0], sizes = [1, 64], strides = [1, 1]} : vector<64x64xf32> to vector<1x64xf32>
      %broadcast_in_dim3A_404 = vector.shape_cast %eq3A_402 : vector<1x1xi1> to vector<1x1xi1>
      %broadcast_in_dim3A_405 = vector.broadcast %broadcast_in_dim3A_404 : vector<1x1xi1> to vector<1x64xi1>
      %select_n3A_406 = arith.select %broadcast_in_dim3A_405, %slice3A_403, %broadcast_in_dim3A_399 : vector<1x64xi1>, vector<1x64xf32>
      %mul3A_407 = arith.mulf %select_n3A_406, %slice3A_395 : vector<1x64xf32>
      %reduce_max3A_408 = arith.constant dense<0xFF800000> : vector<1xf32>
      %reduce_max3A_409 = vector.multi_reduction <maximumf>, %mul3A_407, %reduce_max3A_408 [1] : vector<1x64xf32> to vector<1xf32>
      %broadcast_in_dim3A_410 = vector.shape_cast %reduce_max3A_409 : vector<1xf32> to vector<1x1xf32>
      %slice3A_411 = vector.extract_strided_slice %transpose3A_355 {offsets = [0, 3], sizes = [64, 1], strides = [1, 1]} : vector<64x16xf32> to vector<64x1xf32>
      %broadcast_in_dim3A_412 = vector.shape_cast %slice3A_411 : vector<64x1xf32> to vector<64x1xf32>
      %broadcast_in_dim3A_413 = vector.broadcast %broadcast_in_dim3A_412 : vector<64x1xf32> to vector<64x64xf32>
      %broadcast_in_dim3A_414 = vector.shape_cast %mul3A_407 : vector<1x64xf32> to vector<1x64xf32>
      %broadcast_in_dim3A_415 = vector.broadcast %broadcast_in_dim3A_414 : vector<1x64xf32> to vector<64x64xf32>
      %mul3A_416 = arith.mulf %broadcast_in_dim3A_415, %transpose3A : vector<64x64xf32>
      %reduce_max3A_417 = arith.constant dense<0xFF800000> : vector<64xf32>
      %reduce_max3A_418 = vector.multi_reduction <maximumf>, %mul3A_416, %reduce_max3A_417 [1] : vector<64x64xf32> to vector<64xf32>
      %broadcast_in_dim3A_419 = vector.shape_cast %reduce_max3A_418 : vector<64xf32> to vector<64x1xf32>
      %broadcast_in_dim3A_420 = vector.shape_cast %broadcast_in_dim3A_419 : vector<64x1xf32> to vector<64x1xf32>
      %broadcast_in_dim3A_421 = vector.broadcast %broadcast_in_dim3A_420 : vector<64x1xf32> to vector<64x64xf32>
      %eq3A_422 = arith.constant 0.000000e+00 : f32
      %eq3A_423 = vector.broadcast %eq3A_422 : f32 to vector<1x1xf32>
      %eq3A_424 = arith.cmpf oeq, %broadcast_in_dim3A_410, %eq3A_423 : vector<1x1xf32>
      %broadcast_in_dim3A_425 = vector.shape_cast %eq3A_424 : vector<1x1xi1> to vector<1x1xi1>
      %broadcast_in_dim3A_426 = vector.broadcast %broadcast_in_dim3A_425 : vector<1x1xi1> to vector<64x64xi1>
      %select_n3A_427 = arith.select %broadcast_in_dim3A_426, %broadcast_in_dim3A_2, %broadcast_in_dim3A_421 : vector<64x64xi1>, vector<64x64xf32>
      %mul3A_428 = arith.mulf %select_n3A_427, %broadcast_in_dim3A_413 : vector<64x64xf32>
      %slice3A_429 = vector.extract_strided_slice %mul3A_428 {offsets = [0, 0], sizes = [64, 1], strides = [1, 1]} : vector<64x64xf32> to vector<64x1xf32>
      %reduce_max3A_430 = arith.constant dense<0xFF800000> : vector<1xf32>
      %reduce_max3A_431 = vector.multi_reduction <maximumf>, %slice3A_429, %reduce_max3A_430 [0] : vector<64x1xf32> to vector<1xf32>
      %broadcast_in_dim3A_432 = vector.shape_cast %reduce_max3A_431 : vector<1xf32> to vector<1x1xf32>
      %slice3A_433 = vector.extract_strided_slice %mul3A_428 {offsets = [0, 0], sizes = [64, 1], strides = [1, 1]} : vector<64x64xf32> to vector<64x1xf32>
      %slice3A_434 = vector.extract_strided_slice %get3A_354 {offsets = [4, 0], sizes = [1, 64], strides = [1, 1]} : vector<16x64xf32> to vector<1x64xf32>
      %mul3A_435 = arith.mulf %mul3A_428, %get3A_1 : vector<64x64xf32>
      %reduce_max3A_436 = arith.constant dense<0xFF800000> : vector<64xf32>
      %reduce_max3A_437 = vector.multi_reduction <maximumf>, %mul3A_435, %reduce_max3A_436 [0] : vector<64x64xf32> to vector<64xf32>
      %broadcast_in_dim3A_438 = vector.shape_cast %reduce_max3A_437 : vector<64xf32> to vector<1x64xf32>
      %eq3A_439 = arith.constant 0.000000e+00 : f32
      %eq3A_440 = vector.broadcast %eq3A_439 : f32 to vector<1x1xf32>
      %eq3A_441 = arith.cmpf oeq, %broadcast_in_dim3A_432, %eq3A_440 : vector<1x1xf32>
      %slice3A_442 = vector.extract_strided_slice %get3A_1 {offsets = [0, 0], sizes = [1, 64], strides = [1, 1]} : vector<64x64xf32> to vector<1x64xf32>
      %broadcast_in_dim3A_443 = vector.shape_cast %eq3A_441 : vector<1x1xi1> to vector<1x1xi1>
      %broadcast_in_dim3A_444 = vector.broadcast %broadcast_in_dim3A_443 : vector<1x1xi1> to vector<1x64xi1>
      %select_n3A_445 = arith.select %broadcast_in_dim3A_444, %slice3A_442, %broadcast_in_dim3A_438 : vector<1x64xi1>, vector<1x64xf32>
      %mul3A_446 = arith.mulf %select_n3A_445, %slice3A_434 : vector<1x64xf32>
      %reduce_max3A_447 = arith.constant dense<0xFF800000> : vector<1xf32>
      %reduce_max3A_448 = vector.multi_reduction <maximumf>, %mul3A_446, %reduce_max3A_447 [1] : vector<1x64xf32> to vector<1xf32>
      %broadcast_in_dim3A_449 = vector.shape_cast %reduce_max3A_448 : vector<1xf32> to vector<1x1xf32>
      %slice3A_450 = vector.extract_strided_slice %transpose3A_355 {offsets = [0, 5], sizes = [64, 1], strides = [1, 1]} : vector<64x16xf32> to vector<64x1xf32>
      %broadcast_in_dim3A_451 = vector.shape_cast %slice3A_450 : vector<64x1xf32> to vector<64x1xf32>
      %broadcast_in_dim3A_452 = vector.broadcast %broadcast_in_dim3A_451 : vector<64x1xf32> to vector<64x64xf32>
      %broadcast_in_dim3A_453 = vector.shape_cast %mul3A_446 : vector<1x64xf32> to vector<1x64xf32>
      %broadcast_in_dim3A_454 = vector.broadcast %broadcast_in_dim3A_453 : vector<1x64xf32> to vector<64x64xf32>
      %mul3A_455 = arith.mulf %broadcast_in_dim3A_454, %transpose3A : vector<64x64xf32>
      %reduce_max3A_456 = arith.constant dense<0xFF800000> : vector<64xf32>
      %reduce_max3A_457 = vector.multi_reduction <maximumf>, %mul3A_455, %reduce_max3A_456 [1] : vector<64x64xf32> to vector<64xf32>
      %broadcast_in_dim3A_458 = vector.shape_cast %reduce_max3A_457 : vector<64xf32> to vector<64x1xf32>
      %broadcast_in_dim3A_459 = vector.shape_cast %broadcast_in_dim3A_458 : vector<64x1xf32> to vector<64x1xf32>
      %broadcast_in_dim3A_460 = vector.broadcast %broadcast_in_dim3A_459 : vector<64x1xf32> to vector<64x64xf32>
      %eq3A_461 = arith.constant 0.000000e+00 : f32
      %eq3A_462 = vector.broadcast %eq3A_461 : f32 to vector<1x1xf32>
      %eq3A_463 = arith.cmpf oeq, %broadcast_in_dim3A_449, %eq3A_462 : vector<1x1xf32>
      %broadcast_in_dim3A_464 = vector.shape_cast %eq3A_463 : vector<1x1xi1> to vector<1x1xi1>
      %broadcast_in_dim3A_465 = vector.broadcast %broadcast_in_dim3A_464 : vector<1x1xi1> to vector<64x64xi1>
      %select_n3A_466 = arith.select %broadcast_in_dim3A_465, %broadcast_in_dim3A_2, %broadcast_in_dim3A_460 : vector<64x64xi1>, vector<64x64xf32>
      %mul3A_467 = arith.mulf %select_n3A_466, %broadcast_in_dim3A_452 : vector<64x64xf32>
      %slice3A_468 = vector.extract_strided_slice %mul3A_467 {offsets = [0, 0], sizes = [64, 1], strides = [1, 1]} : vector<64x64xf32> to vector<64x1xf32>
      %reduce_max3A_469 = arith.constant dense<0xFF800000> : vector<1xf32>
      %reduce_max3A_470 = vector.multi_reduction <maximumf>, %slice3A_468, %reduce_max3A_469 [0] : vector<64x1xf32> to vector<1xf32>
      %broadcast_in_dim3A_471 = vector.shape_cast %reduce_max3A_470 : vector<1xf32> to vector<1x1xf32>
      %slice3A_472 = vector.extract_strided_slice %mul3A_467 {offsets = [0, 0], sizes = [64, 1], strides = [1, 1]} : vector<64x64xf32> to vector<64x1xf32>
      %slice3A_473 = vector.extract_strided_slice %get3A_354 {offsets = [6, 0], sizes = [1, 64], strides = [1, 1]} : vector<16x64xf32> to vector<1x64xf32>
      %mul3A_474 = arith.mulf %mul3A_467, %get3A_1 : vector<64x64xf32>
      %reduce_max3A_475 = arith.constant dense<0xFF800000> : vector<64xf32>
      %reduce_max3A_476 = vector.multi_reduction <maximumf>, %mul3A_474, %reduce_max3A_475 [0] : vector<64x64xf32> to vector<64xf32>
      %broadcast_in_dim3A_477 = vector.shape_cast %reduce_max3A_476 : vector<64xf32> to vector<1x64xf32>
      %eq3A_478 = arith.constant 0.000000e+00 : f32
      %eq3A_479 = vector.broadcast %eq3A_478 : f32 to vector<1x1xf32>
      %eq3A_480 = arith.cmpf oeq, %broadcast_in_dim3A_471, %eq3A_479 : vector<1x1xf32>
      %slice3A_481 = vector.extract_strided_slice %get3A_1 {offsets = [0, 0], sizes = [1, 64], strides = [1, 1]} : vector<64x64xf32> to vector<1x64xf32>
      %broadcast_in_dim3A_482 = vector.shape_cast %eq3A_480 : vector<1x1xi1> to vector<1x1xi1>
      %broadcast_in_dim3A_483 = vector.broadcast %broadcast_in_dim3A_482 : vector<1x1xi1> to vector<1x64xi1>
      %select_n3A_484 = arith.select %broadcast_in_dim3A_483, %slice3A_481, %broadcast_in_dim3A_477 : vector<1x64xi1>, vector<1x64xf32>
      %mul3A_485 = arith.mulf %select_n3A_484, %slice3A_473 : vector<1x64xf32>
      %reduce_max3A_486 = arith.constant dense<0xFF800000> : vector<1xf32>
      %reduce_max3A_487 = vector.multi_reduction <maximumf>, %mul3A_485, %reduce_max3A_486 [1] : vector<1x64xf32> to vector<1xf32>
      %broadcast_in_dim3A_488 = vector.shape_cast %reduce_max3A_487 : vector<1xf32> to vector<1x1xf32>
      %slice3A_489 = vector.extract_strided_slice %transpose3A_355 {offsets = [0, 7], sizes = [64, 1], strides = [1, 1]} : vector<64x16xf32> to vector<64x1xf32>
      %broadcast_in_dim3A_490 = vector.shape_cast %slice3A_489 : vector<64x1xf32> to vector<64x1xf32>
      %broadcast_in_dim3A_491 = vector.broadcast %broadcast_in_dim3A_490 : vector<64x1xf32> to vector<64x64xf32>
      %broadcast_in_dim3A_492 = vector.shape_cast %mul3A_485 : vector<1x64xf32> to vector<1x64xf32>
      %broadcast_in_dim3A_493 = vector.broadcast %broadcast_in_dim3A_492 : vector<1x64xf32> to vector<64x64xf32>
      %mul3A_494 = arith.mulf %broadcast_in_dim3A_493, %transpose3A : vector<64x64xf32>
      %reduce_max3A_495 = arith.constant dense<0xFF800000> : vector<64xf32>
      %reduce_max3A_496 = vector.multi_reduction <maximumf>, %mul3A_494, %reduce_max3A_495 [1] : vector<64x64xf32> to vector<64xf32>
      %broadcast_in_dim3A_497 = vector.shape_cast %reduce_max3A_496 : vector<64xf32> to vector<64x1xf32>
      %broadcast_in_dim3A_498 = vector.shape_cast %broadcast_in_dim3A_497 : vector<64x1xf32> to vector<64x1xf32>
      %broadcast_in_dim3A_499 = vector.broadcast %broadcast_in_dim3A_498 : vector<64x1xf32> to vector<64x64xf32>
      %eq3A_500 = arith.constant 0.000000e+00 : f32
      %eq3A_501 = vector.broadcast %eq3A_500 : f32 to vector<1x1xf32>
      %eq3A_502 = arith.cmpf oeq, %broadcast_in_dim3A_488, %eq3A_501 : vector<1x1xf32>
      %broadcast_in_dim3A_503 = vector.shape_cast %eq3A_502 : vector<1x1xi1> to vector<1x1xi1>
      %broadcast_in_dim3A_504 = vector.broadcast %broadcast_in_dim3A_503 : vector<1x1xi1> to vector<64x64xi1>
      %select_n3A_505 = arith.select %broadcast_in_dim3A_504, %broadcast_in_dim3A_2, %broadcast_in_dim3A_499 : vector<64x64xi1>, vector<64x64xf32>
      %mul3A_506 = arith.mulf %select_n3A_505, %broadcast_in_dim3A_491 : vector<64x64xf32>
      %slice3A_507 = vector.extract_strided_slice %mul3A_506 {offsets = [0, 0], sizes = [64, 1], strides = [1, 1]} : vector<64x64xf32> to vector<64x1xf32>
      %reduce_max3A_508 = arith.constant dense<0xFF800000> : vector<1xf32>
      %reduce_max3A_509 = vector.multi_reduction <maximumf>, %slice3A_507, %reduce_max3A_508 [0] : vector<64x1xf32> to vector<1xf32>
      %broadcast_in_dim3A_510 = vector.shape_cast %reduce_max3A_509 : vector<1xf32> to vector<1x1xf32>
      %slice3A_511 = vector.extract_strided_slice %mul3A_506 {offsets = [0, 0], sizes = [64, 1], strides = [1, 1]} : vector<64x64xf32> to vector<64x1xf32>
      %slice3A_512 = vector.extract_strided_slice %get3A_354 {offsets = [8, 0], sizes = [1, 64], strides = [1, 1]} : vector<16x64xf32> to vector<1x64xf32>
      %mul3A_513 = arith.mulf %mul3A_506, %get3A_1 : vector<64x64xf32>
      %reduce_max3A_514 = arith.constant dense<0xFF800000> : vector<64xf32>
      %reduce_max3A_515 = vector.multi_reduction <maximumf>, %mul3A_513, %reduce_max3A_514 [0] : vector<64x64xf32> to vector<64xf32>
      %broadcast_in_dim3A_516 = vector.shape_cast %reduce_max3A_515 : vector<64xf32> to vector<1x64xf32>
      %eq3A_517 = arith.constant 0.000000e+00 : f32
      %eq3A_518 = vector.broadcast %eq3A_517 : f32 to vector<1x1xf32>
      %eq3A_519 = arith.cmpf oeq, %broadcast_in_dim3A_510, %eq3A_518 : vector<1x1xf32>
      %slice3A_520 = vector.extract_strided_slice %get3A_1 {offsets = [0, 0], sizes = [1, 64], strides = [1, 1]} : vector<64x64xf32> to vector<1x64xf32>
      %broadcast_in_dim3A_521 = vector.shape_cast %eq3A_519 : vector<1x1xi1> to vector<1x1xi1>
      %broadcast_in_dim3A_522 = vector.broadcast %broadcast_in_dim3A_521 : vector<1x1xi1> to vector<1x64xi1>
      %select_n3A_523 = arith.select %broadcast_in_dim3A_522, %slice3A_520, %broadcast_in_dim3A_516 : vector<1x64xi1>, vector<1x64xf32>
      %mul3A_524 = arith.mulf %select_n3A_523, %slice3A_512 : vector<1x64xf32>
      %reduce_max3A_525 = arith.constant dense<0xFF800000> : vector<1xf32>
      %reduce_max3A_526 = vector.multi_reduction <maximumf>, %mul3A_524, %reduce_max3A_525 [1] : vector<1x64xf32> to vector<1xf32>
      %broadcast_in_dim3A_527 = vector.shape_cast %reduce_max3A_526 : vector<1xf32> to vector<1x1xf32>
      %slice3A_528 = vector.extract_strided_slice %transpose3A_355 {offsets = [0, 9], sizes = [64, 1], strides = [1, 1]} : vector<64x16xf32> to vector<64x1xf32>
      %broadcast_in_dim3A_529 = vector.shape_cast %slice3A_528 : vector<64x1xf32> to vector<64x1xf32>
      %broadcast_in_dim3A_530 = vector.broadcast %broadcast_in_dim3A_529 : vector<64x1xf32> to vector<64x64xf32>
      %broadcast_in_dim3A_531 = vector.shape_cast %mul3A_524 : vector<1x64xf32> to vector<1x64xf32>
      %broadcast_in_dim3A_532 = vector.broadcast %broadcast_in_dim3A_531 : vector<1x64xf32> to vector<64x64xf32>
      %mul3A_533 = arith.mulf %broadcast_in_dim3A_532, %transpose3A : vector<64x64xf32>
      %reduce_max3A_534 = arith.constant dense<0xFF800000> : vector<64xf32>
      %reduce_max3A_535 = vector.multi_reduction <maximumf>, %mul3A_533, %reduce_max3A_534 [1] : vector<64x64xf32> to vector<64xf32>
      %broadcast_in_dim3A_536 = vector.shape_cast %reduce_max3A_535 : vector<64xf32> to vector<64x1xf32>
      %broadcast_in_dim3A_537 = vector.shape_cast %broadcast_in_dim3A_536 : vector<64x1xf32> to vector<64x1xf32>
      %broadcast_in_dim3A_538 = vector.broadcast %broadcast_in_dim3A_537 : vector<64x1xf32> to vector<64x64xf32>
      %eq3A_539 = arith.constant 0.000000e+00 : f32
      %eq3A_540 = vector.broadcast %eq3A_539 : f32 to vector<1x1xf32>
      %eq3A_541 = arith.cmpf oeq, %broadcast_in_dim3A_527, %eq3A_540 : vector<1x1xf32>
      %broadcast_in_dim3A_542 = vector.shape_cast %eq3A_541 : vector<1x1xi1> to vector<1x1xi1>
      %broadcast_in_dim3A_543 = vector.broadcast %broadcast_in_dim3A_542 : vector<1x1xi1> to vector<64x64xi1>
      %select_n3A_544 = arith.select %broadcast_in_dim3A_543, %broadcast_in_dim3A_2, %broadcast_in_dim3A_538 : vector<64x64xi1>, vector<64x64xf32>
      %mul3A_545 = arith.mulf %select_n3A_544, %broadcast_in_dim3A_530 : vector<64x64xf32>
      %slice3A_546 = vector.extract_strided_slice %mul3A_545 {offsets = [0, 0], sizes = [64, 1], strides = [1, 1]} : vector<64x64xf32> to vector<64x1xf32>
      %reduce_max3A_547 = arith.constant dense<0xFF800000> : vector<1xf32>
      %reduce_max3A_548 = vector.multi_reduction <maximumf>, %slice3A_546, %reduce_max3A_547 [0] : vector<64x1xf32> to vector<1xf32>
      %broadcast_in_dim3A_549 = vector.shape_cast %reduce_max3A_548 : vector<1xf32> to vector<1x1xf32>
      %slice3A_550 = vector.extract_strided_slice %mul3A_545 {offsets = [0, 0], sizes = [64, 1], strides = [1, 1]} : vector<64x64xf32> to vector<64x1xf32>
      %slice3A_551 = vector.extract_strided_slice %get3A_354 {offsets = [10, 0], sizes = [1, 64], strides = [1, 1]} : vector<16x64xf32> to vector<1x64xf32>
      %mul3A_552 = arith.mulf %mul3A_545, %get3A_1 : vector<64x64xf32>
      %reduce_max3A_553 = arith.constant dense<0xFF800000> : vector<64xf32>
      %reduce_max3A_554 = vector.multi_reduction <maximumf>, %mul3A_552, %reduce_max3A_553 [0] : vector<64x64xf32> to vector<64xf32>
      %broadcast_in_dim3A_555 = vector.shape_cast %reduce_max3A_554 : vector<64xf32> to vector<1x64xf32>
      %eq3A_556 = arith.constant 0.000000e+00 : f32
      %eq3A_557 = vector.broadcast %eq3A_556 : f32 to vector<1x1xf32>
      %eq3A_558 = arith.cmpf oeq, %broadcast_in_dim3A_549, %eq3A_557 : vector<1x1xf32>
      %slice3A_559 = vector.extract_strided_slice %get3A_1 {offsets = [0, 0], sizes = [1, 64], strides = [1, 1]} : vector<64x64xf32> to vector<1x64xf32>
      %broadcast_in_dim3A_560 = vector.shape_cast %eq3A_558 : vector<1x1xi1> to vector<1x1xi1>
      %broadcast_in_dim3A_561 = vector.broadcast %broadcast_in_dim3A_560 : vector<1x1xi1> to vector<1x64xi1>
      %select_n3A_562 = arith.select %broadcast_in_dim3A_561, %slice3A_559, %broadcast_in_dim3A_555 : vector<1x64xi1>, vector<1x64xf32>
      %mul3A_563 = arith.mulf %select_n3A_562, %slice3A_551 : vector<1x64xf32>
      %reduce_max3A_564 = arith.constant dense<0xFF800000> : vector<1xf32>
      %reduce_max3A_565 = vector.multi_reduction <maximumf>, %mul3A_563, %reduce_max3A_564 [1] : vector<1x64xf32> to vector<1xf32>
      %broadcast_in_dim3A_566 = vector.shape_cast %reduce_max3A_565 : vector<1xf32> to vector<1x1xf32>
      %slice3A_567 = vector.extract_strided_slice %transpose3A_355 {offsets = [0, 11], sizes = [64, 1], strides = [1, 1]} : vector<64x16xf32> to vector<64x1xf32>
      %broadcast_in_dim3A_568 = vector.shape_cast %slice3A_567 : vector<64x1xf32> to vector<64x1xf32>
      %broadcast_in_dim3A_569 = vector.broadcast %broadcast_in_dim3A_568 : vector<64x1xf32> to vector<64x64xf32>
      %broadcast_in_dim3A_570 = vector.shape_cast %mul3A_563 : vector<1x64xf32> to vector<1x64xf32>
      %broadcast_in_dim3A_571 = vector.broadcast %broadcast_in_dim3A_570 : vector<1x64xf32> to vector<64x64xf32>
      %mul3A_572 = arith.mulf %broadcast_in_dim3A_571, %transpose3A : vector<64x64xf32>
      %reduce_max3A_573 = arith.constant dense<0xFF800000> : vector<64xf32>
      %reduce_max3A_574 = vector.multi_reduction <maximumf>, %mul3A_572, %reduce_max3A_573 [1] : vector<64x64xf32> to vector<64xf32>
      %broadcast_in_dim3A_575 = vector.shape_cast %reduce_max3A_574 : vector<64xf32> to vector<64x1xf32>
      %broadcast_in_dim3A_576 = vector.shape_cast %broadcast_in_dim3A_575 : vector<64x1xf32> to vector<64x1xf32>
      %broadcast_in_dim3A_577 = vector.broadcast %broadcast_in_dim3A_576 : vector<64x1xf32> to vector<64x64xf32>
      %eq3A_578 = arith.constant 0.000000e+00 : f32
      %eq3A_579 = vector.broadcast %eq3A_578 : f32 to vector<1x1xf32>
      %eq3A_580 = arith.cmpf oeq, %broadcast_in_dim3A_566, %eq3A_579 : vector<1x1xf32>
      %broadcast_in_dim3A_581 = vector.shape_cast %eq3A_580 : vector<1x1xi1> to vector<1x1xi1>
      %broadcast_in_dim3A_582 = vector.broadcast %broadcast_in_dim3A_581 : vector<1x1xi1> to vector<64x64xi1>
      %select_n3A_583 = arith.select %broadcast_in_dim3A_582, %broadcast_in_dim3A_2, %broadcast_in_dim3A_577 : vector<64x64xi1>, vector<64x64xf32>
      %mul3A_584 = arith.mulf %select_n3A_583, %broadcast_in_dim3A_569 : vector<64x64xf32>
      %slice3A_585 = vector.extract_strided_slice %mul3A_584 {offsets = [0, 0], sizes = [64, 1], strides = [1, 1]} : vector<64x64xf32> to vector<64x1xf32>
      %reduce_max3A_586 = arith.constant dense<0xFF800000> : vector<1xf32>
      %reduce_max3A_587 = vector.multi_reduction <maximumf>, %slice3A_585, %reduce_max3A_586 [0] : vector<64x1xf32> to vector<1xf32>
      %broadcast_in_dim3A_588 = vector.shape_cast %reduce_max3A_587 : vector<1xf32> to vector<1x1xf32>
      %slice3A_589 = vector.extract_strided_slice %mul3A_584 {offsets = [0, 0], sizes = [64, 1], strides = [1, 1]} : vector<64x64xf32> to vector<64x1xf32>
      %slice3A_590 = vector.extract_strided_slice %get3A_354 {offsets = [12, 0], sizes = [1, 64], strides = [1, 1]} : vector<16x64xf32> to vector<1x64xf32>
      %mul3A_591 = arith.mulf %mul3A_584, %get3A_1 : vector<64x64xf32>
      %reduce_max3A_592 = arith.constant dense<0xFF800000> : vector<64xf32>
      %reduce_max3A_593 = vector.multi_reduction <maximumf>, %mul3A_591, %reduce_max3A_592 [0] : vector<64x64xf32> to vector<64xf32>
      %broadcast_in_dim3A_594 = vector.shape_cast %reduce_max3A_593 : vector<64xf32> to vector<1x64xf32>
      %eq3A_595 = arith.constant 0.000000e+00 : f32
      %eq3A_596 = vector.broadcast %eq3A_595 : f32 to vector<1x1xf32>
      %eq3A_597 = arith.cmpf oeq, %broadcast_in_dim3A_588, %eq3A_596 : vector<1x1xf32>
      %slice3A_598 = vector.extract_strided_slice %get3A_1 {offsets = [0, 0], sizes = [1, 64], strides = [1, 1]} : vector<64x64xf32> to vector<1x64xf32>
      %broadcast_in_dim3A_599 = vector.shape_cast %eq3A_597 : vector<1x1xi1> to vector<1x1xi1>
      %broadcast_in_dim3A_600 = vector.broadcast %broadcast_in_dim3A_599 : vector<1x1xi1> to vector<1x64xi1>
      %select_n3A_601 = arith.select %broadcast_in_dim3A_600, %slice3A_598, %broadcast_in_dim3A_594 : vector<1x64xi1>, vector<1x64xf32>
      %mul3A_602 = arith.mulf %select_n3A_601, %slice3A_590 : vector<1x64xf32>
      %reduce_max3A_603 = arith.constant dense<0xFF800000> : vector<1xf32>
      %reduce_max3A_604 = vector.multi_reduction <maximumf>, %mul3A_602, %reduce_max3A_603 [1] : vector<1x64xf32> to vector<1xf32>
      %broadcast_in_dim3A_605 = vector.shape_cast %reduce_max3A_604 : vector<1xf32> to vector<1x1xf32>
      %slice3A_606 = vector.extract_strided_slice %transpose3A_355 {offsets = [0, 13], sizes = [64, 1], strides = [1, 1]} : vector<64x16xf32> to vector<64x1xf32>
      %broadcast_in_dim3A_607 = vector.shape_cast %slice3A_606 : vector<64x1xf32> to vector<64x1xf32>
      %broadcast_in_dim3A_608 = vector.broadcast %broadcast_in_dim3A_607 : vector<64x1xf32> to vector<64x64xf32>
      %broadcast_in_dim3A_609 = vector.shape_cast %mul3A_602 : vector<1x64xf32> to vector<1x64xf32>
      %broadcast_in_dim3A_610 = vector.broadcast %broadcast_in_dim3A_609 : vector<1x64xf32> to vector<64x64xf32>
      %mul3A_611 = arith.mulf %broadcast_in_dim3A_610, %transpose3A : vector<64x64xf32>
      %reduce_max3A_612 = arith.constant dense<0xFF800000> : vector<64xf32>
      %reduce_max3A_613 = vector.multi_reduction <maximumf>, %mul3A_611, %reduce_max3A_612 [1] : vector<64x64xf32> to vector<64xf32>
      %broadcast_in_dim3A_614 = vector.shape_cast %reduce_max3A_613 : vector<64xf32> to vector<64x1xf32>
      %broadcast_in_dim3A_615 = vector.shape_cast %broadcast_in_dim3A_614 : vector<64x1xf32> to vector<64x1xf32>
      %broadcast_in_dim3A_616 = vector.broadcast %broadcast_in_dim3A_615 : vector<64x1xf32> to vector<64x64xf32>
      %eq3A_617 = arith.constant 0.000000e+00 : f32
      %eq3A_618 = vector.broadcast %eq3A_617 : f32 to vector<1x1xf32>
      %eq3A_619 = arith.cmpf oeq, %broadcast_in_dim3A_605, %eq3A_618 : vector<1x1xf32>
      %broadcast_in_dim3A_620 = vector.shape_cast %eq3A_619 : vector<1x1xi1> to vector<1x1xi1>
      %broadcast_in_dim3A_621 = vector.broadcast %broadcast_in_dim3A_620 : vector<1x1xi1> to vector<64x64xi1>
      %select_n3A_622 = arith.select %broadcast_in_dim3A_621, %broadcast_in_dim3A_2, %broadcast_in_dim3A_616 : vector<64x64xi1>, vector<64x64xf32>
      %mul3A_623 = arith.mulf %select_n3A_622, %broadcast_in_dim3A_608 : vector<64x64xf32>
      %slice3A_624 = vector.extract_strided_slice %mul3A_623 {offsets = [0, 0], sizes = [64, 1], strides = [1, 1]} : vector<64x64xf32> to vector<64x1xf32>
      %reduce_max3A_625 = arith.constant dense<0xFF800000> : vector<1xf32>
      %reduce_max3A_626 = vector.multi_reduction <maximumf>, %slice3A_624, %reduce_max3A_625 [0] : vector<64x1xf32> to vector<1xf32>
      %broadcast_in_dim3A_627 = vector.shape_cast %reduce_max3A_626 : vector<1xf32> to vector<1x1xf32>
      %slice3A_628 = vector.extract_strided_slice %mul3A_623 {offsets = [0, 0], sizes = [64, 1], strides = [1, 1]} : vector<64x64xf32> to vector<64x1xf32>
      %slice3A_629 = vector.extract_strided_slice %get3A_354 {offsets = [14, 0], sizes = [1, 64], strides = [1, 1]} : vector<16x64xf32> to vector<1x64xf32>
      %mul3A_630 = arith.mulf %mul3A_623, %get3A_1 : vector<64x64xf32>
      %reduce_max3A_631 = arith.constant dense<0xFF800000> : vector<64xf32>
      %reduce_max3A_632 = vector.multi_reduction <maximumf>, %mul3A_630, %reduce_max3A_631 [0] : vector<64x64xf32> to vector<64xf32>
      %broadcast_in_dim3A_633 = vector.shape_cast %reduce_max3A_632 : vector<64xf32> to vector<1x64xf32>
      %eq3A_634 = arith.constant 0.000000e+00 : f32
      %eq3A_635 = vector.broadcast %eq3A_634 : f32 to vector<1x1xf32>
      %eq3A_636 = arith.cmpf oeq, %broadcast_in_dim3A_627, %eq3A_635 : vector<1x1xf32>
      %slice3A_637 = vector.extract_strided_slice %get3A_1 {offsets = [0, 0], sizes = [1, 64], strides = [1, 1]} : vector<64x64xf32> to vector<1x64xf32>
      %broadcast_in_dim3A_638 = vector.shape_cast %eq3A_636 : vector<1x1xi1> to vector<1x1xi1>
      %broadcast_in_dim3A_639 = vector.broadcast %broadcast_in_dim3A_638 : vector<1x1xi1> to vector<1x64xi1>
      %select_n3A_640 = arith.select %broadcast_in_dim3A_639, %slice3A_637, %broadcast_in_dim3A_633 : vector<1x64xi1>, vector<1x64xf32>
      %mul3A_641 = arith.mulf %select_n3A_640, %slice3A_629 : vector<1x64xf32>
      %reduce_max3A_642 = arith.constant dense<0xFF800000> : vector<1xf32>
      %reduce_max3A_643 = vector.multi_reduction <maximumf>, %mul3A_641, %reduce_max3A_642 [1] : vector<1x64xf32> to vector<1xf32>
      %broadcast_in_dim3A_644 = vector.shape_cast %reduce_max3A_643 : vector<1xf32> to vector<1x1xf32>
      %slice3A_645 = vector.extract_strided_slice %transpose3A_355 {offsets = [0, 15], sizes = [64, 1], strides = [1, 1]} : vector<64x16xf32> to vector<64x1xf32>
      %broadcast_in_dim3A_646 = vector.shape_cast %slice3A_645 : vector<64x1xf32> to vector<64x1xf32>
      %broadcast_in_dim3A_647 = vector.broadcast %broadcast_in_dim3A_646 : vector<64x1xf32> to vector<64x64xf32>
      %broadcast_in_dim3A_648 = vector.shape_cast %mul3A_641 : vector<1x64xf32> to vector<1x64xf32>
      %broadcast_in_dim3A_649 = vector.broadcast %broadcast_in_dim3A_648 : vector<1x64xf32> to vector<64x64xf32>
      %mul3A_650 = arith.mulf %broadcast_in_dim3A_649, %transpose3A : vector<64x64xf32>
      %reduce_max3A_651 = arith.constant dense<0xFF800000> : vector<64xf32>
      %reduce_max3A_652 = vector.multi_reduction <maximumf>, %mul3A_650, %reduce_max3A_651 [1] : vector<64x64xf32> to vector<64xf32>
      %broadcast_in_dim3A_653 = vector.shape_cast %reduce_max3A_652 : vector<64xf32> to vector<64x1xf32>
      %broadcast_in_dim3A_654 = vector.shape_cast %broadcast_in_dim3A_653 : vector<64x1xf32> to vector<64x1xf32>
      %broadcast_in_dim3A_655 = vector.broadcast %broadcast_in_dim3A_654 : vector<64x1xf32> to vector<64x64xf32>
      %eq3A_656 = arith.constant 0.000000e+00 : f32
      %eq3A_657 = vector.broadcast %eq3A_656 : f32 to vector<1x1xf32>
      %eq3A_658 = arith.cmpf oeq, %broadcast_in_dim3A_644, %eq3A_657 : vector<1x1xf32>
      %broadcast_in_dim3A_659 = vector.shape_cast %eq3A_658 : vector<1x1xi1> to vector<1x1xi1>
      %broadcast_in_dim3A_660 = vector.broadcast %broadcast_in_dim3A_659 : vector<1x1xi1> to vector<64x64xi1>
      %select_n3A_661 = arith.select %broadcast_in_dim3A_660, %broadcast_in_dim3A_2, %broadcast_in_dim3A_655 : vector<64x64xi1>, vector<64x64xf32>
      %mul3A_662 = arith.mulf %select_n3A_661, %broadcast_in_dim3A_647 : vector<64x64xf32>
      %slice3A_663 = vector.extract_strided_slice %mul3A_662 {offsets = [0, 0], sizes = [64, 1], strides = [1, 1]} : vector<64x64xf32> to vector<64x1xf32>
      %reduce_max3A_664 = arith.constant dense<0xFF800000> : vector<1xf32>
      %reduce_max3A_665 = vector.multi_reduction <maximumf>, %slice3A_663, %reduce_max3A_664 [0] : vector<64x1xf32> to vector<1xf32>
      %broadcast_in_dim3A_666 = vector.shape_cast %reduce_max3A_665 : vector<1xf32> to vector<1x1xf32>
      %slice3A_667 = vector.extract_strided_slice %mul3A_662 {offsets = [0, 0], sizes = [64, 1], strides = [1, 1]} : vector<64x64xf32> to vector<64x1xf32>
      %concatenate3A_668 = tpu.concatenate %mul3A_368, %mul3A_407, %mul3A_446, %mul3A_485, %mul3A_524, %mul3A_563, %mul3A_602, %mul3A_641 in 0 : vector<1x64xf32>, vector<1x64xf32>, vector<1x64xf32>, vector<1x64xf32>, vector<1x64xf32>, vector<1x64xf32>, vector<1x64xf32>, vector<1x64xf32> -> vector<8x64xf32>
      %concatenate3A_669 = tpu.concatenate %slice3A_394, %slice3A_433, %slice3A_472, %slice3A_511, %slice3A_550, %slice3A_589, %slice3A_628, %slice3A_667 in 1 : vector<64x1xf32>, vector<64x1xf32>, vector<64x1xf32>, vector<64x1xf32>, vector<64x1xf32>, vector<64x1xf32>, vector<64x1xf32>, vector<64x1xf32> -> vector<64x8xf32>
      %transpose3A_670 = tpu.transpose %concatenate3A_669, [1, 0] : vector<64x8xf32> -> vector<8x64xf32>
      %mul3A_671 = arith.constant 8 : i32
      %mul3A_672 = arith.muli %scan3A_347, %mul3A_671 : i32
      %swap3A_673 = arith.index_cast %mul3A_672 : i32 to index
      %swap3A_674 = arith.constant 0 : index
      %swap3A_675 = vector.load %arg3[%swap3A_673, %swap3A_674] : memref<256x64xf32, #tpu.memory_space<vmem>>, vector<8x64xf32>
      tpu.vector_store %arg3[%swap3A_673, %swap3A_674], %concatenate3A_668 {strides = array<i32>} : memref<256x64xf32, #tpu.memory_space<vmem>>, vector<8x64xf32>,
      %mul3A_676 = arith.constant 8 : i32
      %mul3A_677 = arith.muli %scan3A_347, %mul3A_676 : i32
      %swap3A_678 = arith.index_cast %mul3A_677 : i32 to index
      %swap3A_679 = arith.constant 0 : index
      %swap3A_680 = vector.load %arg4[%swap3A_678, %swap3A_679] : memref<256x64xf32, #tpu.memory_space<vmem>>, vector<8x64xf32>
      tpu.vector_store %arg4[%swap3A_678, %swap3A_679], %transpose3A_670 {strides = array<i32>} : memref<256x64xf32, #tpu.memory_space<vmem>>, vector<8x64xf32>,
      scf.yield %mul3A_662, %broadcast_in_dim3A_666 : vector<64x64xf32>, vector<1x1xf32>
    }
    %scan3A_315 = arith.constant 31 : i32
    %get3A_316 = arith.constant 0 : index
    %get3A_317 = arith.constant 0 : index
    %get3A_318 = vector.load %arg3[%get3A_316, %get3A_317] : memref<256x64xf32, #tpu.memory_space<vmem>>, vector<256x64xf32>
    %reduce_max3A_319 = arith.constant dense<0xFF800000> : vector<256xf32>
    %reduce_max3A_320 = vector.multi_reduction <maximumf>, %get3A_318, %reduce_max3A_319 [1] : vector<256x64xf32> to vector<256xf32>
    %broadcast_in_dim3A_321 = vector.shape_cast %reduce_max3A_320 : vector<256xf32> to vector<256x1xf32>
    %iota3A = tpu.iota {dimensions = array<i32: 1>} : vector<256x64xi32>
    %eq3A_322 = vector.broadcast %broadcast_in_dim3A_321 : vector<256x1xf32> to vector<256x64xf32>
    %eq3A_323 = arith.cmpf oeq, %get3A_318, %eq3A_322 : vector<256x64xf32>
    %jit3A = arith.constant 64 : i32
    %broadcast_in_dim3A_324 = vector.broadcast %jit3A : i32 to vector<256x64xi32>
    %select_n3A_325 = arith.select %eq3A_323, %iota3A, %broadcast_in_dim3A_324 : vector<256x64xi1>, vector<256x64xi32>
    %reduce_min3A = arith.constant dense<2147483647> : vector<256xi32>
    %reduce_min3A_326 = vector.multi_reduction <minsi>, %select_n3A_325, %reduce_min3A [1] : vector<256x64xi32> to vector<256xi32>
    %broadcast_in_dim3A_327 = vector.shape_cast %reduce_min3A_326 : vector<256xi32> to vector<256x1xi32>
    %get3A_328 = arith.constant 0 : index
    %get3A_329 = arith.constant 0 : index
    %get3A_330 = vector.load %arg4[%get3A_328, %get3A_329] : memref<256x64xf32, #tpu.memory_space<vmem>>, vector<256x64xf32>
    %reduce_max3A_331 = arith.constant dense<0xFF800000> : vector<256xf32>
    %reduce_max3A_332 = vector.multi_reduction <maximumf>, %get3A_330, %reduce_max3A_331 [1] : vector<256x64xf32> to vector<256xf32>
    %broadcast_in_dim3A_333 = vector.shape_cast %reduce_max3A_332 : vector<256xf32> to vector<256x1xf32>
    %iota3A_334 = tpu.iota {dimensions = array<i32: 1>} : vector<256x64xi32>
    %eq3A_335 = vector.broadcast %broadcast_in_dim3A_333 : vector<256x1xf32> to vector<256x64xf32>
    %eq3A_336 = arith.cmpf oeq, %get3A_330, %eq3A_335 : vector<256x64xf32>
    %jit3A_337 = arith.constant 64 : i32
    %broadcast_in_dim3A_338 = vector.broadcast %jit3A_337 : i32 to vector<256x64xi32>
    %select_n3A_339 = arith.select %eq3A_336, %iota3A_334, %broadcast_in_dim3A_338 : vector<256x64xi1>, vector<256x64xi32>
    %reduce_min3A_340 = arith.constant dense<2147483647> : vector<256xi32>
    %reduce_min3A_341 = vector.multi_reduction <minsi>, %select_n3A_339, %reduce_min3A_340 [1] : vector<256x64xi32> to vector<256xi32>
    %broadcast_in_dim3A_342 = vector.shape_cast %reduce_min3A_341 : vector<256xi32> to vector<256x1xi32>
    %concatenate3A_343 = tpu.concatenate %broadcast_in_dim3A_327, %broadcast_in_dim3A_342 in 1 : vector<256x1xi32>, vector<256x1xi32> -> vector<256x2xi32>
    %swap3A_344 = arith.constant 0 : index
    %swap3A_345 = arith.constant 0 : index
    %swap3A_346 = vector.load %arg2[%swap3A_344, %swap3A_345] : memref<256x2xi32, #tpu.memory_space<vmem>>, vector<256x2xi32>
    tpu.vector_store %arg2[%swap3A_344, %swap3A_345], %concatenate3A_343 {strides = array<i32>} : memref<256x2xi32, #tpu.memory_space<vmem>>, vector<256x2xi32>,
    return
  }
}

</mosaic_0001>

<sc_bundles>
// kernel: kernel.4.cloned.1.call-start
scs
__scs_entry_jumppad:
0x0: {  	(pc) =	sbr.rel $0x88, $3  }
0x1: {  	(tag) =	ssettag $0x0;
	lr =	simm.s32 $0x1  }
0x2: {  	[smem:$0x3F9E] =	sst lr;
	_ =	strace $0xD0000000  }
0x3: {  	_ = 	snop  }
0x4: {  	_ = 	snop  }
0x5: {  	_ = 	snop  }
0x6: {  	_ = 	snop  }
0x7: {  	_ = 	snop  }
__scs_overlays_trampoline_lowered:
0x8: {  	[smem:$0x3FAD] =	sst s0  }
0x9: {  	[smem:$0x3FAE] =	sst s1  }
0xa: {  	[smem:$0x3FAF] =	sst s2  }
0xb: {  	[smem:$0x3FB0] =	sst s3  }
0xc: {  	[smem:$0x3FB1] =	sst s4  }
0xd: {  	[smem:$0x3FB2] =	sst s5  }
0xe: {  	[smem:$0x3FB3] =	sst s6  }
0xf: {  	[smem:$0x3FB4] =	sst s7  }
0x10: {  	[smem:$0x3FB5] =	sst s8  }
0x11: {  	[smem:$0x3FB6] =	sst s9;
	s0 =	simm.s32 @!p0 $0x0  }
0x12: {  	s1 =	sld [smem:$0x3F9C];
	s0 =	simm.s32 @p0 $0x1  }
0x13: {  	[smem:$0x3FB7] =	sst s0;
	s0 =	simm.s32 @!p1 $0x0  }
0x14: {  	s2 =	sld [smem:$0x3F9B];
	s0 =	simm.s32 @p1 $0x1  }
0x15: {  	[smem:$0x3FB8] =	sst s0;
	s0 =	simm.s32 @!p2 $0x0  }
0x16: {  	s3 =	sld [smem:$0x3FDB];
	s0 =	simm.s32 @p2 $0x1  }
0x17: {  	s4 =	simm.s32 $0x1BF5;
	[smem:$0x3FBA] =	sst s0  }
0x18: {  	s0 =	sld [smem:$0x3F9D];
	_ =	swait.ge [sflag:s4], $0x0  }
0x19: {  	s7 =	sld [smem:$0x3F9E]  }
0x1a: {  	s8 =	sadd.s32 $0xFFFFE003, lr  }
0x1b: {  	s9 =	sadd.s32 $0xFFFFFEF7, lr;
	s5 =	simm.s32 $0xFFFFFFFF;
	p2 =	slt.u32 s8, $0xFFFFF086  }
0x1c: {  	p1 =	slt.u32 s9, $0xF7A;
	s5 =	simm.s32 @!p2 $0x0  }
0x1d: {  	s5 =	simm.s32 @p1 $0x1;
	p0 =	seq.s32 s7, s2  }
0x1e: {  	s7 =	smul.u32 @!p0 $0xF7A, s2;
	p2 =	seq.s32 @!p0 s5, $0x0  }
0x1f: {  	s9 =	smul.u32 $0xF7A, s1;
	s8 =	simm.s32 @!p0 $0x1BF5;
	p2 =	por !p2, p0  }
0x20: {  	[sflag:s8] =	ssyncset.s32 @!p0 $0xFFFFF086;
	s6 =	sadd.s32 @!p0 s3, s7;
	s7 =	simm.s32 @!p0 $0x108  }
0x21: {  	s3 =	sadd.s32 s3, s9;
	s6 =	sadd.s32 @!p0 $0x88, s6;
	s7 =	simm.s32 @p2 $0x1082  }
0x22: {  	[simem:s7], [sflag:s8] =	dma.local @!p0 [hbm:s6], $0xF7A  }
0x23: {  	s9 =	sor.u32 $0xD0000000, s2;
	s6 =	simm.s32 $0x108;
	_ =	swait.ge @!p0 [sflag:s8], $0x0  }
0x24: {  	s3 =	sadd.s32 $0x88, s3;
	s6 =	simm.s32 @!p1 $0x1082;
	[sflag:s4] =	ssyncset.s32 $0xFFFFF086  }
0x25: {  	[simem:s6], [sflag:s4] =	dma.local [hbm:s3], $0xF7A  }
0x26: {  	[smem:$0x3F9E] =	sst s1;
	(tag) =	ssettag s2;
	_ =	strace s9  }
0x27: {  	s1 =	sld [smem:$0x3FAE]  }
0x28: {  	s2 =	sld [smem:$0x3FAF]  }
0x29: {  	s4 =	sld [smem:$0x3FB1]  }
0x2a: {  	p0 =	seq.s32 s5, $0x0;
	s5 =	sld [smem:$0x3FB2]  }
0x2b: {  	s6 =	sld [smem:$0x3FB3]  }
0x2c: {  	s7 =	sld [smem:$0x3FB4]  }
0x2d: {  	s3 =	simm.s32 $0x108;
	s8 =	sld [smem:$0x3FB5]  }
0x2e: {  	s3 =	simm.s32 @!p0 $0x1082;
	s9 =	sld [smem:$0x3FB6]  }
0x2f: {  	lr =	sadd.s32 s0, s3;
	s0 =	sld [smem:$0x3FAD]  }
0x30: {  	s3 =	sld [smem:$0x3FB0]  }
0x31: {  	[smem:$0x3FB9] =	sst s10  }
0x32: {  	s10 =	sld [smem:$0x3FB7];
	_ =	sdelay $0x3  }
0x33: {  	p0 =	seq.s32 s10, $0x1;
	s10 =	sld [smem:$0x3FB9];
	_ =	sdelay $0x3  }
0x34: {  	[smem:$0x3FB9] =	sst s10  }
0x35: {  	s10 =	sld [smem:$0x3FB8];
	_ =	sdelay $0x3  }
0x36: {  	p1 =	seq.s32 s10, $0x1;
	s10 =	sld [smem:$0x3FB9];
	_ =	sdelay $0x3  }
0x37: {  	[smem:$0x3FB9] =	sst s10  }
0x38: {  	s10 =	sld [smem:$0x3FBA]  }
0x39: {  	_ = 	snop;
	(pc) =	sbr.ind lr, $3  }
0x3a: {  	_ = 	snop  }
0x3b: {  	_ = 	snop  }
0x3c: {  	p2 =	seq.s32 s10, $0x1;
	s10 =	sld [smem:$0x3FB9]  }
0x3d: {  	_ =	shalt  }
0x3e: {  	_ =	shalt  }
0x3f: {  	_ =	shalt  }
0x40: {  	_ =	shalt  }
0x41: {  	_ =	shalt  }
0x42: {  	_ =	shalt  }
0x43: {  	_ =	shalt  }
0x44: {  	_ =	shalt  }
0x45: {  	_ =	shalt  }
0x46: {  	_ =	shalt  }
0x47: {  	_ =	shalt  }
0x48: {  	_ =	shalt  }
0x49: {  	_ =	shalt  }
0x4a: {  	_ =	shalt  }
0x4b: {  	_ =	shalt  }
0x4c: {  	_ =	shalt  }
0x4d: {  	_ =	shalt  }
0x4e: {  	_ =	shalt  }
0x4f: {  	_ =	shalt  }
0x50: {  	_ =	shalt  }
0x51: {  	_ =	shalt  }
0x52: {  	_ =	shalt  }
0x53: {  	_ =	shalt  }
0x54: {  	_ =	shalt  }
0x55: {  	_ =	shalt  }
0x56: {  	_ =	shalt  }
0x57: {  	_ =	shalt  }
0x58: {  	_ =	shalt  }
0x59: {  	_ =	shalt  }
0x5a: {  	_ =	shalt  }
0x5b: {  	_ =	shalt  }
0x5c: {  	_ =	shalt  }
0x5d: {  	_ =	shalt  }
0x5e: {  	_ =	shalt  }
0x5f: {  	_ =	shalt  }
0x60: {  	_ =	shalt  }
0x61: {  	_ =	shalt  }
0x62: {  	_ =	shalt  }
0x63: {  	_ =	shalt  }
0x64: {  	_ =	shalt  }
0x65: {  	_ =	shalt  }
0x66: {  	_ =	shalt  }
0x67: {  	_ =	shalt  }
0x68: {  	_ =	shalt  }
0x69: {  	_ =	shalt  }
0x6a: {  	_ =	shalt  }
0x6b: {  	_ =	shalt  }
0x6c: {  	_ =	shalt  }
0x6d: {  	_ =	shalt  }
0x6e: {  	_ =	shalt  }
0x6f: {  	_ =	shalt  }
0x70: {  	_ =	shalt  }
0x71: {  	_ =	shalt  }
0x72: {  	_ =	shalt  }
0x73: {  	_ =	shalt  }
0x74: {  	_ =	shalt  }
0x75: {  	_ =	shalt  }
0x76: {  	_ =	shalt  }
0x77: {  	_ =	shalt  }
0x78: {  	_ =	shalt  }
0x79: {  	_ =	shalt  }
0x7a: {  	_ =	shalt  }
0x7b: {  	_ =	shalt  }
0x7c: {  	_ =	shalt  }
0x7d: {  	_ =	shalt  }
0x7e: {  	_ =	shalt  }
0x7f: {  	_ =	shalt  }
0x80: {  	_ =	shalt  }
0x81: {  	_ =	shalt  }
0x82: {  	_ =	shalt  }
0x83: {  	_ =	shalt  }
0x84: {  	_ =	shalt  }
0x85: {  	_ =	shalt  }
0x86: {  	_ =	shalt  }
0x87: {  	_ =	shalt  }
.Lfunc_end0:
.L_simem_size_0:
called_computation_lowered:
.L_overlay_start_0:
0x88: {  	s2 =	sld [smem:$0x3FD9]  }
0x89: {  	s3 =	sld [smem:$0x3FFE];
	_ =	sdelay $0x1  }
0x8a: {  	s1 =	srdreg.scid  }
0x8b: {  	s0 =	sand.u32 $0x1, s1  }
0x8c: {  	s17 =	sshll.u32 s0, $0xA;
	s2 =	sadd.s32 s3, s2  }
0x8d: {  	s2 =	sadd.s32 s2, s17  }
0x8e: {  	[smem:$0x3FC5] =	sst s2  }
0x8f: {  	_ = 	snop  }
0x90: {  	s2 =	sld [smem:$0x3FC9];
	(tm) =	ssettm $0x1  }
0x91: {  	s18 =	sld [smem:$0x3FFB];
	_ =	sdelay $0x3  }
0x92: {  	_ =	strace s18  }
0x93: {  	s3 =	sld [smem:$0x3FFC];
	_ =	sdelay $0x3  }
0x94: {  	_ =	strace s3  }
0x95: {  	s3 =	sld [smem:$0x3FFD];
	_ =	sdelay $0x3  }
0x96: {  	_ =	strace s3  }
0x97: {  	_ =	strace $0x8FFFFFFF  }
0x98: {  	s19 =	sld [smem:$0x3FDB];
	_ =	sdelay $0x1  }
0x99: {  	s4 =	simm.s32 $_scs_section_size  }
0x9a: {  	s5 =	simm.s32 $_size__tile_overlayer_lowered;
	s6 =	simm.s32 $_tile_overlayer_lowered  }
0x9b: {  	s22 =	simm.s32 $0x1BFF;
	s21 =	sshll.u32 s6, $0x1;
	s3 =	sadd.s32 s4, s19  }
0x9c: {  	s7 =	simm.s32 $0x0;
	s20 =	sshll.u32 s5, $0x1;
	s5 =	sadd.s32 s21, s3  }
0x9d: {  	[timem:s7], [sflag:s22] =	dma.local [hbm:s5], s20  }
0x9e: {  	_ =	swait.ge [sflag:s22], s20  }
0x9f: {  	s4 =	ssub.s32 $0x0, s20;
	[sflag:s22] =	ssyncset.done $0x0  }
0xa0: {  	[sflag:s22] =	ssyncadd.s32 s4;
	_ =	sdelay $0x1  }
0xa1: {  	s23 =	simm.s32 $0x1B8B  }
0xa2: {  	_ =	swait.ge [sflag:s23], $0x1  }
0xa3: {  	[sflag:s23] =	ssyncset.done $0x0  }
0xa4: {  	s25 =	simm.s32 $0x1B8E;
	s24 =	sld [smem:$0x3FFE];
	[sflag:s23] =	ssyncadd.s32 $0xFFFFFFFF  }
0xa5: {  	s26 =	simm.s32 $execute0_lowered;
	[smem:$0x3FD2] =	sst s25  }
0xa6: {  	s5 =	sshll.u32 s26, $0x1;
	_ =	strace $0x80000046;
	[dreg:$0x1] =	wrdreg $0xFFFFFFFF  }
0xa7: {  	s28 =	simm.s32 $_size_execute0_lowered;
	s3 =	sadd.s32 s3, s5;
	[dreg:$0x0] =	wrdreg $0x0  }
0xa8: {  	s5 =	sshll.u32 s28, $0x1;
	[dreg:$0x2] =	wrdreg s3  }
0xa9: {  	[dreg:$0x3] =	wrdreg s5  }
0xaa: {  	[dreg:$0x4] =	wrdreg $0xC0  }
0xab: {  	_ =	task [dreg:s7], $0x5FFFF  }
0xac: {  	[dreg:$0x1] =	wrdreg $0xFFFFFFFF  }
0xad: {  	[dreg:$0x0] =	wrdreg $0x60  }
0xae: {  	[dreg:$0x2] =	wrdreg s24  }
0xaf: {  	[dreg:$0x3] =	wrdreg s2  }
0xb0: {  	[dreg:$0x4] =	wrdreg $0x9  }
0xb1: {  	_ =	task.clear_ibuf [dreg:s7], $0x5FFFF;
	_ =	strace $0x90000046  }
0xb2: {  	s29 =	simm.s32 $0x9;
	_ =	strace $0x80000048  }
0xb3: {  	_ =	swait.ge [sflag:s29], $0x1  }
0xb4: {  	[sflag:s29] =	ssyncadd.s32 $0xFFFFFFFF  }
0xb5: {  	_ =	strace $0x90000048  }
0xb6: {  	_ =	sfence  }
0xb7: {  	s30 =	sld [smem:$0x0];
	_ =	sdelay $0x2  }
0xb8: {  	s31 =	sshll.u32 s1, $0xD;
	s1 =	sshrl.u32 s1, $0x2  }
0xb9: {  	s3 =	sand.u32 $0x4000, s31;
	s1 =	sadd.s32 s1, s30  }
0xba: {  	s0 =	sor.u32 s3, s0;
	s1 =	sshll.u32 s1, $0x11  }
0xbb: {  	s0 =	sor.u32 s1, s0  }
0xbc: {  	s0 =	sadd.s32 $0x8F2B, s0  }
0xbd: {  	[sflag:s0] =	ssyncadd.remote.s32 $0x1  }
0xbe: {  	_ =	sfence.sel $0xFFFF  }
0xbf: {  	[dreg:$0x0] =	wrdreg $0xFFFFFFFF;
	(pc) =	sbr.abs _section_cstart, $3  }
0xc0: {  	[dreg:$0x1] =	wrdreg $0xFFFFFFFF  }
0xc1: {  	_ =	task.clear_ibuf [dreg:s7], $0x2FFFF;
	_ =	strace $0x9FFFFFFF  }
0xc2: {  	(tm) =	ssettm $0x7FFFFFFF  }
0xc3: {  	_ =	shalt  }
tec
execute0_lowered:
.L_overlay_start_1:
0x0: {  	(tag) =	ssettag $0x1  }
0x1: {  	s3 =	rddreg [dreg:$0x0]  }
0x2: {  	s1 =	srdreg.scid;
	s4 =	rddreg [dreg:$0x1]  }
0x3: {  	s2 =	simm.s32 $0x0;
	s5 =	sand.u32 $0x1, s1;
	s1 =	rddreg [dreg:$0x2]  }
0x4: {  	s17 =	simm.s32 $0x100;
	[smem:$0x7FF] =	sst s2  }
0x5: {  	s18 =	simm.s32 $0x500;
	_ =	strace $0x80000047;
	[dreg:$0x5] =	wrdreg s17  }
0x6: {  	s19 =	simm.s32 $0x180;
	[dreg:$0x6] =	wrdreg s18  }
0x7: {  	s20 =	simm.s32 $0x580;
	[dreg:$0x7] =	wrdreg s19  }
0x8: {  	s21 =	simm.s32 $0x200;
	[dreg:$0x8] =	wrdreg s20  }
0x9: {  	s22 =	simm.s32 $0x600;
	[dreg:$0x9] =	wrdreg s21  }
0xa: {  	s23 =	simm.s32 $0x280;
	[dreg:$0xa] =	wrdreg s22  }
0xb: {  	s24 =	simm.s32 $0x680;
	[dreg:$0xb] =	wrdreg s23  }
0xc: {  	s25 =	simm.s32 $0x300;
	[dreg:$0xc] =	wrdreg s24  }
0xd: {  	s28 =	simm.s32 $0x700;
	[dreg:$0xd] =	wrdreg s25  }
0xe: {  	s29 =	simm.s32 $0x380;
	[dreg:$0xe] =	wrdreg s28  }
0xf: {  	s30 =	simm.s32 $0x780;
	[dreg:$0xf] =	wrdreg s29  }
0x10: {  	s0 =	stileid.u32;
	s31 =	simm.s32 $0x400;
	[dreg:$0x10] =	wrdreg s30  }
0x11: {  	s8 =	simm.s32 $0x800;
	s6 =	sshll.u32 s0, $0x1;
	[dreg:$0x11] =	wrdreg s31  }
0x12: {  	s6 =	sor.u32 s5, s6;
	s5 =	ssub.s32 $0x2, s5;
	[dreg:$0x12] =	wrdreg s8  }
0x13: {  	s8 =	simm.s32 $0x1;
	s7 =	sshll.u32 s6, $0x7;
	s6 =	sshll.u32 s6, $0x1  }
0x14: {  	s26 =	sshrl.u32 s5, $0x1;
	s7 =	sadd.s32 s7, s3;
	s4 =	sadd.s32 s4, s6  }
0x15: {  	s3 =	sadd.s32 $0x600, s3;
	s5 =	ssub.s32 s5, s26;
	s6 =	simm.s32 $0x80  }
0x16: {  	v0 =	vlaneseq.u32;
	[dreg:$0x3] =	wrdreg s4;
	s16 =	sadd.s32 $0xC3C00, s7;
	s4 =	smax.u32 s5, $0x1  }
0x17: {  	v0 =	vmul.u32 $0x186A0, v0;
	s5 =	simm.s32 $0x2;
	s7 =	simm.s32 $0x480;
	[dreg:$0x4] =	wrdreg s16  }
.LBB2_1:
0x18: {  	s9 =	rddreg [dreg:$0x3]  }
0x19: {  	[tilespmem:s2], [sflag:$0x2] =	stream.linear.gather [hbm4b:s9+s2], $0x10, $0x38;
	[tilespmem:$0x880] =	vst v63  }
0x1a: {  	_ =	swait.ge [sflag:s5], $0x10  }
0x1b: {  	[sflag:s5] =	ssyncset.done $0x0  }
0x1c: {  	[sflag:s5] =	ssyncadd.s32 $0xFFFFFFF0  }
0x1d: {  	v1 =	vld [tilespmem:$0x0];
	_ =	sdelay $0x4  }
0x1e: {  	(v2sf) =	vpush v1, $0x0;
	_ =	sdelay $0x3  }
0x1f: {  	(v2sf) =	vpush v1, $0x1;
	_ =	sdelay $0x3  }
0x20: {  	(v2sf) =	vpush v1, $0x2;
	_ =	sdelay $0x2  }
0x21: {  	(v2sf) =	vpush v1, $0x3;
	_ =	sdelay $0x2  }
0x22: {  	v2 =	vbroadcast v1, $0x0  }
0x23: {  	s30 =	spop (v2sf)  }
0x24: {  	v2 =	vadd.s32 v0, v2;
	(v2sf) =	vpush v1, $0x4;
	s10 =	sadd.s32 $0x186A00, s30  }
0x25: {  	[tilespmem:$0x80] =	vst v2;
	s31 =	sadd.s32 $0x30D400, s30;
	v2 =	vadd.s32 s10, v0  }
0x26: {  	v3 =	vbroadcast v1, $0x1;
	s9 =	sadd.s32 $0x493E00, s30;
	[tilespmem:$0x90] =	vst v2;
	v2 =	vadd.s32 s31, v0  }
0x27: {  	s11 =	spop (v2sf);
	[tilespmem:$0xA0] =	vst v2;
	v2 =	vadd.s32 s9, v0  }
0x28: {  	(v2sf) =	vpush v1, $0x5;
	s12 =	sadd.s32 $0x186A00, s11;
	[tilespmem:$0xB0] =	vst v2;
	v2 =	vadd.s32 v0, v3  }
0x29: {  	s13 =	sadd.s32 $0x30D400, s11;
	[tilespmem:$0xC0] =	vst v2;
	v2 =	vadd.s32 s12, v0  }
0x2a: {  	s9 =	sadd.s32 $0x493E00, s11;
	v3 =	vbroadcast v1, $0x2;
	[tilespmem:$0xD0] =	vst v2;
	v2 =	vadd.s32 s13, v0  }
0x2b: {  	s14 =	spop (v2sf);
	[tilespmem:$0xE0] =	vst v2;
	v2 =	vadd.s32 s9, v0  }
0x2c: {  	(v2sf) =	vpush v1, $0x6;
	s15 =	sadd.s32 $0x186A00, s14;
	[tilespmem:$0xF0] =	vst v2;
	v2 =	vadd.s32 v0, v3  }
0x2d: {  	s16 =	sadd.s32 $0x30D400, s14;
	[tilespmem:$0x100] =	vst v2;
	v2 =	vadd.s32 s15, v0  }
0x2e: {  	s17 =	spop (v2sf);
	(v2sf) =	vpush v1, $0x7;
	s9 =	sadd.s32 $0x493E00, s14;
	v3 =	vbroadcast v1, $0x3;
	[tilespmem:$0x110] =	vst v2;
	v2 =	vadd.s32 s16, v0  }
0x2f: {  	[tilespmem:$0x120] =	vst v2;
	v2 =	vadd.s32 s9, v0  }
0x30: {  	s18 =	sadd.s32 $0x186A00, s17;
	[tilespmem:$0x130] =	vst v2;
	v2 =	vadd.s32 v0, v3  }
0x31: {  	s19 =	sadd.s32 $0x30D400, s17;
	[tilespmem:$0x140] =	vst v2;
	v2 =	vadd.s32 s18, v0  }
0x32: {  	s9 =	sadd.s32 $0x493E00, s17;
	v3 =	vbroadcast v1, $0x4;
	[tilespmem:$0x150] =	vst v2;
	v2 =	vadd.s32 s19, v0  }
0x33: {  	s20 =	spop (v2sf);
	[tilespmem:$0x160] =	vst v2;
	v2 =	vadd.s32 s9, v0  }
0x34: {  	(v2sf) =	vpush v1, $0x8;
	s21 =	sadd.s32 $0x186A00, s20;
	[tilespmem:$0x170] =	vst v2;
	v2 =	vadd.s32 v0, v3  }
0x35: {  	s22 =	sadd.s32 $0x30D400, s20;
	[tilespmem:$0x180] =	vst v2;
	v2 =	vadd.s32 s21, v0  }
0x36: {  	s9 =	sadd.s32 $0x493E00, s20;
	v3 =	vbroadcast v1, $0x5;
	[tilespmem:$0x190] =	vst v2;
	v2 =	vadd.s32 s22, v0  }
0x37: {  	s23 =	spop (v2sf);
	[tilespmem:$0x1A0] =	vst v2;
	v2 =	vadd.s32 s9, v0  }
0x38: {  	(v2sf) =	vpush v1, $0x9;
	s24 =	sadd.s32 $0x186A00, s23;
	[tilespmem:$0x1B0] =	vst v2;
	v2 =	vadd.s32 v0, v3  }
0x39: {  	s25 =	sadd.s32 $0x30D400, s23;
	[tilespmem:$0x1C0] =	vst v2;
	v2 =	vadd.s32 s24, v0  }
0x3a: {  	s9 =	sadd.s32 $0x493E00, s23;
	v3 =	vbroadcast v1, $0x6;
	[tilespmem:$0x1D0] =	vst v2;
	v2 =	vadd.s32 s25, v0  }
0x3b: {  	s26 =	spop (v2sf);
	[tilespmem:$0x1E0] =	vst v2;
	v2 =	vadd.s32 s9, v0  }
0x3c: {  	(v2sf) =	vpush v1, $0xA;
	s28 =	sadd.s32 $0x186A00, s26;
	[tilespmem:$0x1F0] =	vst v2;
	v2 =	vadd.s32 v0, v3  }
0x3d: {  	s29 =	sadd.s32 $0x30D400, s26;
	s30 =	spop (v2sf);
	(v2sf) =	vpush v1, $0xB;
	[tilespmem:$0x200] =	vst v2;
	v2 =	vadd.s32 s28, v0  }
0x3e: {  	s9 =	sadd.s32 $0x493E00, s26;
	v3 =	vbroadcast v1, $0x7;
	[tilespmem:$0x210] =	vst v2;
	v2 =	vadd.s32 s29, v0  }
0x3f: {  	[tilespmem:$0x220] =	vst v2;
	v2 =	vadd.s32 s9, v0  }
0x40: {  	s31 =	sadd.s32 $0x186A00, s30;
	[tilespmem:$0x230] =	vst v2;
	v2 =	vadd.s32 v0, v3  }
0x41: {  	s11 =	sadd.s32 $0x30D400, s30;
	[tilespmem:$0x240] =	vst v2;
	v2 =	vadd.s32 s31, v0  }
0x42: {  	s9 =	sadd.s32 $0x493E00, s30;
	v3 =	vbroadcast v1, $0x8;
	[tilespmem:$0x250] =	vst v2;
	v2 =	vadd.s32 s11, v0  }
0x43: {  	s12 =	spop (v2sf);
	[tilespmem:$0x260] =	vst v2;
	v2 =	vadd.s32 s9, v0  }
0x44: {  	(v2sf) =	vpush v1, $0xC;
	s13 =	sadd.s32 $0x186A00, s12;
	[tilespmem:$0x270] =	vst v2;
	v2 =	vadd.s32 v0, v3  }
0x45: {  	s14 =	sadd.s32 $0x30D400, s12;
	[tilespmem:$0x280] =	vst v2;
	v2 =	vadd.s32 s13, v0  }
0x46: {  	s9 =	sadd.s32 $0x493E00, s12;
	v3 =	vbroadcast v1, $0x9;
	[tilespmem:$0x290] =	vst v2;
	v2 =	vadd.s32 s14, v0  }
0x47: {  	s15 =	spop (v2sf);
	[tilespmem:$0x2A0] =	vst v2;
	v2 =	vadd.s32 s9, v0  }
0x48: {  	(v2sf) =	vpush v1, $0xD;
	s16 =	sadd.s32 $0x186A00, s15;
	[tilespmem:$0x2B0] =	vst v2;
	v2 =	vadd.s32 v0, v3  }
0x49: {  	s17 =	sadd.s32 $0x30D400, s15;
	[tilespmem:$0x2C0] =	vst v2;
	v2 =	vadd.s32 s16, v0  }
0x4a: {  	s9 =	sadd.s32 $0x493E00, s15;
	v3 =	vbroadcast v1, $0xA;
	[tilespmem:$0x2D0] =	vst v2;
	v2 =	vadd.s32 s17, v0  }
0x4b: {  	s18 =	spop (v2sf);
	(v2sf) =	vpush v1, $0xE;
	[tilespmem:$0x2E0] =	vst v2;
	v2 =	vadd.s32 s9, v0  }
0x4c: {  	s19 =	sadd.s32 $0x186A00, s18;
	s21 =	spop (v2sf);
	(v2sf) =	vpush v1, $0xF;
	[tilespmem:$0x2F0] =	vst v2;
	v2 =	vadd.s32 v0, v3  }
0x4d: {  	s20 =	sadd.s32 $0x30D400, s18;
	[tilespmem:$0x300] =	vst v2;
	v2 =	vadd.s32 s19, v0  }
0x4e: {  	s9 =	sadd.s32 $0x493E00, s18;
	v3 =	vbroadcast v1, $0xB;
	[tilespmem:$0x310] =	vst v2;
	v2 =	vadd.s32 s20, v0  }
0x4f: {  	[tilespmem:$0x320] =	vst v2;
	v2 =	vadd.s32 s9, v0  }
0x50: {  	s22 =	sadd.s32 $0x186A00, s21;
	[tilespmem:$0x330] =	vst v2;
	v2 =	vadd.s32 v0, v3  }
0x51: {  	s23 =	sadd.s32 $0x30D400, s21;
	[tilespmem:$0x340] =	vst v2;
	v2 =	vadd.s32 s22, v0  }
0x52: {  	s9 =	sadd.s32 $0x493E00, s21;
	v3 =	vbroadcast v1, $0xC;
	[tilespmem:$0x350] =	vst v2;
	v2 =	vadd.s32 s23, v0  }
0x53: {  	s24 =	spop (v2sf);
	[tilespmem:$0x360] =	vst v2;
	v2 =	vadd.s32 s9, v0  }
0x54: {  	s25 =	sadd.s32 $0x186A00, s24;
	[tilespmem:$0x370] =	vst v2;
	v2 =	vadd.s32 v0, v3  }
0x55: {  	s26 =	sadd.s32 $0x30D400, s24;
	[tilespmem:$0x380] =	vst v2;
	v2 =	vadd.s32 s25, v0  }
0x56: {  	s28 =	sadd.s32 $0x493E00, s24;
	v3 =	vbroadcast v1, $0xD;
	[tilespmem:$0x390] =	vst v2;
	v2 =	vadd.s32 s26, v0  }
0x57: {  	s29 =	spop (v2sf);
	[tilespmem:$0x3A0] =	vst v2;
	v2 =	vadd.s32 s28, v0  }
0x58: {  	s30 =	sadd.s32 $0x186A00, s29;
	[tilespmem:$0x3B0] =	vst v2;
	v2 =	vadd.s32 v0, v3  }
0x59: {  	s31 =	sadd.s32 $0x30D400, s29;
	v3 =	vbroadcast v1, $0xE;
	v1 =	vbroadcast v1, $0xF;
	[tilespmem:$0x3C0] =	vst v2;
	v2 =	vadd.s32 s30, v0  }
0x5a: {  	s11 =	spop (v2sf);
	[tilespmem:$0x3D0] =	vst v2;
	v2 =	vadd.s32 s31, v0  }
0x5b: {  	s10 =	sadd.s32 $0x493E00, s29;
	s15 =	spop (v2sf);
	v1 =	vadd.s32 v0, v1;
	[tilespmem:$0x3E0] =	vst v2  }
0x5c: {  	s16 =	sadd.s32 $0x186A00, s15;
	v2 =	vadd.s32 s10, v0;
	[tilespmem:$0x440] =	vst v1  }
0x5d: {  	v1 =	vadd.s32 s16, v0;
	[tilespmem:$0x3F0] =	vst v2  }
0x5e: {  	s18 =	rddreg [dreg:$0x5];
	s17 =	sadd.s32 $0x30D400, s15;
	v2 =	vadd.s32 v0, v3;
	[tilespmem:$0x450] =	vst v1  }
0x5f: {  	s19 =	rddreg [dreg:$0x6];
	s12 =	sadd.s32 $0x186A00, s11;
	v1 =	vadd.s32 s17, v0;
	[tilespmem:$0x400] =	vst v2  }
0x60: {  	s20 =	rddreg [dreg:$0x7];
	s9 =	sadd.s32 $0x493E00, s15;
	v2 =	vadd.s32 s12, v0;
	[tilespmem:$0x460] =	vst v1  }
0x61: {  	s21 =	rddreg [dreg:$0x8];
	s13 =	sadd.s32 $0x30D400, s11;
	v1 =	vadd.s32 s9, v0;
	[tilespmem:$0x410] =	vst v2  }
0x62: {  	s22 =	rddreg [dreg:$0xb];
	s14 =	sadd.s32 $0x493E00, s11;
	v2 =	vadd.s32 s13, v0;
	[tilespmem:$0x470] =	vst v1  }
0x63: {  	s24 =	rddreg [dreg:$0xd];
	[tilespmem:$0x420] =	vst v2;
	v2 =	vadd.s32 s14, v0  }
0x64: {  	s23 =	rddreg [dreg:$0xc];
	[tilespmem:$0x430] =	vst v2  }
0x65: {  	[tilespmem:s7], [sflag:$0x1] =	stream.indirect.gather [hbm4b:s3+s6], $0x1, s6, s6, $0xb8;
	[tilespmem:$0x880] =	vst v63  }
0x66: {  	s29 =	rddreg [dreg:$0x11]  }
0x67: {  	[tilespmem:s19], [sflag:$0x1] =	stream.indirect.gather [hbm4b:s3+s6], $0x1, s18, s6, $0xb8;
	[tilespmem:$0x880] =	vst v63  }
0x68: {  	s11 =	rddreg [dreg:$0x9]  }
0x69: {  	[tilespmem:s21], [sflag:$0x1] =	stream.indirect.gather [hbm4b:s3+s6], $0x1, s20, s6, $0xb8;
	[tilespmem:$0x880] =	vst v63  }
0x6a: {  	s12 =	rddreg [dreg:$0xa]  }
0x6b: {  	[tilespmem:s12], [sflag:$0x1] =	stream.indirect.gather [hbm4b:s3+s6], $0x1, s11, s6, $0xb8;
	[tilespmem:$0x880] =	vst v63  }
0x6c: {  	s25 =	rddreg [dreg:$0xe]  }
0x6d: {  	[tilespmem:s23], [sflag:$0x1] =	stream.indirect.gather [hbm4b:s3+s6], $0x1, s22, s6, $0xb8;
	[tilespmem:$0x880] =	vst v63  }
0x6e: {  	s26 =	rddreg [dreg:$0xf]  }
0x6f: {  	[tilespmem:s25], [sflag:$0x1] =	stream.indirect.gather [hbm4b:s3+s6], $0x1, s24, s6, $0xb8;
	[tilespmem:$0x880] =	vst v63  }
0x70: {  	s28 =	rddreg [dreg:$0x10]  }
0x71: {  	[tilespmem:s28], [sflag:$0x1] =	stream.indirect.gather [hbm4b:s3+s6], $0x1, s26, s6, $0xb8;
	[tilespmem:$0x880] =	vst v63  }
0x72: {  	s30 =	rddreg [dreg:$0x12]  }
0x73: {  	[tilespmem:s30], [sflag:$0x1] =	stream.indirect.gather [hbm4b:s3+s6], $0x1, s29, s6, $0xb8;
	[tilespmem:$0x880] =	vst v63  }
0x74: {  	_ =	swait.ge [sflag:s8], $0x80  }
0x75: {  	[sflag:s8] =	ssyncset.done $0x0  }
0x76: {  	[sflag:s8] =	ssyncadd.s32 $0xFFFFFF80  }
0x77: {  	_ =	swait.ge [sflag:s8], $0x80  }
0x78: {  	[sflag:s8] =	ssyncset.done $0x0  }
0x79: {  	[sflag:s8] =	ssyncadd.s32 $0xFFFFFF80  }
0x7a: {  	_ =	swait.ge [sflag:s8], $0x80  }
0x7b: {  	[sflag:s8] =	ssyncset.done $0x0  }
0x7c: {  	[sflag:s8] =	ssyncadd.s32 $0xFFFFFF80  }
0x7d: {  	_ =	swait.ge [sflag:s8], $0x80  }
0x7e: {  	[sflag:s8] =	ssyncset.done $0x0  }
0x7f: {  	[sflag:s8] =	ssyncadd.s32 $0xFFFFFF80  }
0x80: {  	_ =	swait.ge [sflag:s8], $0x80  }
0x81: {  	[sflag:s8] =	ssyncset.done $0x0  }
0x82: {  	[sflag:s8] =	ssyncadd.s32 $0xFFFFFF80  }
0x83: {  	_ =	swait.ge [sflag:s8], $0x80  }
0x84: {  	[sflag:s8] =	ssyncset.done $0x0  }
0x85: {  	[sflag:s8] =	ssyncadd.s32 $0xFFFFFF80  }
0x86: {  	_ =	swait.ge [sflag:s8], $0x80  }
0x87: {  	[sflag:s8] =	ssyncset.done $0x0  }
0x88: {  	[sflag:s8] =	ssyncadd.s32 $0xFFFFFF80  }
0x89: {  	_ =	swait.ge [sflag:s8], $0x80  }
0x8a: {  	p0 =	sne.s32 s4, $0x1;
	[sflag:s8] =	ssyncset.done $0x0  }
.Ltmp0:
0x8b: {  	s31 =	rddreg [dreg:$0x4];
	[sflag:s8] =	ssyncadd.s32 $0xFFFFFF80;
	(pc) =	sbr.rel @p0 .LBB2_1-.Ltmp0, $4  }
0x8c: {  	[hbm4b:s31+s2] =	stream.linear.scatter [tilespmem:s7], [sflag:$0x2], $0x400, $0x38;
	[tilespmem:$0x880] =	vst v63  }
0x8d: {  	_ =	swait.ge [sflag:s5], $0x400  }
0x8e: {  	[sflag:s5] =	ssyncset.done $0x0  }
0x8f: {  	s4 =	sadd.s32 $0xFFFFFFFF, s4;
	[sflag:s5] =	ssyncadd.s32 $0xFFFFFC00  }
0x90: {  	_ =	sfence.sel $0x180000  }
0x91: {  	[bflag:$0x0] =	sbarrier.arrive $0xFFFF  }
0x92: {  	p0 =	sne.s32 s0, $0x0;
	_ =	strace $0x90000047  }
0x93: {  	s0 =	sadd.s32 @!p0 $0x100000, s1;
	[bflag:$0x2] =	sbarrier.arrive $0xFFFF  }
0x94: {  	[sflag:s0] =	ssyncadd.tile.s32 @!p0 $0x1;
	_ =	shalt  }
.Lfunc_end2:
_tile_overlayer_lowered:
.L_overlay_start_2:
0x95: {  	(tag) =	ssettag $0x2  }
0x96: {  	s0 =	rddreg [dreg:$0x0];
	s2 =	stileid.u32  }
0x97: {  	s1 =	rddreg [dreg:$0x1];
	p0 =	sne.s32 s2, $0x0  }
0x98: {  	s3 =	rddreg [dreg:$0x2];
	[bflag:$0x3] =	sbarrier.arrive $0xFFFF;
	s2 =	simm.s32 @!p0 $0x1C02  }
0x99: {  	[timem:s3], [sflag:s2] =	dma.local @!p0 [hbm:s0], s1  }
0x9a: {  	s0 =	simm.s32 @!p0 $0x2  }
0x9b: {  	_ =	swait.ge @!p0 [sflag:s0], s1  }
0x9c: {  	s1 =	ssub.s32 @!p0 $0x0, s1;
	[sflag:s0] =	ssyncset.done @!p0 $0x0  }
0x9d: {  	[sflag:s0] =	ssyncadd.s32 @!p0 s1  }
0x9e: {  	[bflag:$0x3] =	sbarrier.arrive $0xFFFF  }
0x9f: {  	_ =	shalt  }

</sc_bundles>
